<compile_context>
chip_gen: v7x
topology: tpu7x:2x2x1
jax: 0.10.2.dev20260603
libtpu: 0.0.44.dev20260713+nightly
codegen_flags: <defaults>
</compile_context>

<pallas_src>
import functools

import jax
import jax.numpy as jnp
from jax import lax
from jax.experimental import pallas as pl
from jax.experimental.pallas import tpu as pltpu
from jax.experimental.pallas import tpu_sc as plsc

D_MODEL = 128
NC, NS = 2, 16
NW = NC * NS
CHUNK = 64
B_TOT = 4096 * 200
CH_PER_W = B_TOT // (NW * CHUNK)
NBUF = 8
GROUPS = CH_PER_W // NBUF

_mesh = plsc.VectorSubcoreMesh(core_axis_name="c", subcore_axis_name="s")


@functools.partial(
    pl.kernel,
    mesh=_mesh,
    out_type=jax.ShapeDtypeStruct((B_TOT, D_MODEL), jnp.float32),
    scratch_types=[
        pltpu.VMEM((CH_PER_W, CHUNK), jnp.int32),
        pltpu.VMEM_SHARED((24, D_MODEL), jnp.float32),
        pltpu.VMEM((NBUF, CHUNK, D_MODEL), jnp.float32),
        pltpu.SemaphoreType.DMA,
        pltpu.SemaphoreType.DMA,
        pltpu.SemaphoreType.DMA,
        pltpu.SemaphoreType.DMA,
        pltpu.SemaphoreType.DMA,
        pltpu.SemaphoreType.DMA,
        pltpu.SemaphoreType.DMA,
        pltpu.SemaphoreType.DMA,
        pltpu.SemaphoreType.DMA,
        pltpu.SemaphoreType.DMA,
        pltpu.SemaphoreType.DMA,
        pltpu.SemaphoreType.DMA,
        pltpu.SemaphoreType.DMA,
        pltpu.SemaphoreType.DMA,
        pltpu.SemaphoreType.DMA,
        pltpu.SemaphoreType.DMA,
    ],
)
def _gather_kernel(idx_hbm, table_hbm, out_hbm, idx_v, table_sh, rows_v,
                   g0, g1, g2, g3, g4, g5, g6, g7,
                   o0, o1, o2, o3, o4, o5, o6, o7):
    sem_g = (g0, g1, g2, g3, g4, g5, g6, g7)
    sem_o = (o0, o1, o2, o3, o4, o5, o6, o7)
    sid = lax.axis_index("s")
    wid = sid * NC + lax.axis_index("c")
    base = wid * (CH_PER_W * CHUNK)

    @pl.when(sid == 0)
    def _():
        pltpu.sync_copy(table_hbm, table_sh)

    pltpu.sync_copy(idx_hbm.at[wid], idx_v)
    plsc.subcore_barrier()

    def body(g, carry):
        j0 = g * NBUF
        descs = []
        for b in range(NBUF):
            @pl.when(g > 0)
            def _(b=b, j0=j0):
                pltpu.make_async_copy(
                    rows_v.at[b],
                    out_hbm.at[pl.ds(base + (j0 + b - NBUF) * CHUNK, CHUNK)],
                    sem_o[b]).wait()
            descs.append(pltpu.async_copy(
                table_sh.at[idx_v.at[j0 + b]], rows_v.at[b], sem_g[b]))
        for b in range(NBUF):
            descs[b].wait()
            pltpu.async_copy(
                rows_v.at[b],
                out_hbm.at[pl.ds(base + (j0 + b) * CHUNK, CHUNK)],
                sem_o[b])
        return carry

    lax.fori_loop(0, GROUPS, body, 0)
    for b in range(NBUF):
        pltpu.make_async_copy(
            rows_v.at[b],
            out_hbm.at[pl.ds(base + b * CHUNK, CHUNK)],
            sem_o[b]).wait()


def kernel(x, pe):
    idx = x.reshape(NW, CH_PER_W, CHUNK)
    out = _gather_kernel(idx, pe)
    return out.reshape(x.shape[0], x.shape[1], D_MODEL)

# --- scband reference (transcript-rebuilt; emitter-appended) ---
"""Pipeline reference for scband-year-positional-embedding-37752762532453 (READ-ONLY COPY).

The authoritative reference and input builder live on the scoring server;
editing this copy changes nothing except your own understanding.
"""

import jax, jax.numpy as jnp
import numpy as np

D_MODEL = 128
MAX_SEQ = 24
BATCH = 4096
SEQ_LEN = 200

def _build_pe():
    position = jnp.arange(0, MAX_SEQ, dtype=jnp.float32)[:, None]
    div_term = jnp.exp(jnp.arange(0, D_MODEL, 2, dtype=jnp.float32) * -(jnp.log(jnp.float32(10000.0)) / D_MODEL))
    pe = jnp.zeros((MAX_SEQ, D_MODEL), dtype=jnp.float32)
    pe = pe.at[:, 0::2].set(jnp.sin(position * div_term))
    pe = pe.at[:, 1::2].set(jnp.cos(position * div_term))
    return pe

def setup_inputs(seed: int = 0) -> dict:
    key = jax.random.key(seed)
    x = jax.random.randint(jax.random.fold_in(key, 1), (BATCH, SEQ_LEN), 0, MAX_SEQ, dtype=jnp.int32)
    pe = _build_pe()
    return {"x": x, "pe": pe}

def reference(x, pe):
    batch_size, seq_len = x.shape[0], x.shape[1]
    flat = x.reshape(-1)
    pe_s = jnp.take(pe, flat, axis=0)
    pe_s = pe_s.reshape(batch_size, seq_len, -1)
    return pe_s

if __name__ == "__main__":
    import jax
    _d = setup_inputs()
    print(jax.jit(kernel)(*tuple(_d.values())))

</pallas_src>

<mosaic_0001>
#map = affine_map<(d0, d1) -> (0, 0, 0)>
#map1 = affine_map<(d0, d1) -> (0, 0)>
module attributes {stable_mosaic.version = 14 : i64} {
  func.func @_gather_kernel(%arg0: i32, %arg1: i32, %arg2: memref<32x400x64xi32, #tpu.memory_space<hbm>>, %arg3: memref<24x128xf32, #tpu.memory_space<hbm>>, %arg4: memref<819200x128xf32, #tpu.memory_space<hbm>>, %arg5: memref<400x64xi32, #tpu.memory_space<vmem>>, %arg6: memref<24x128xf32, #tpu.memory_space<vmem_shared>>, %arg7: memref<8x64x128xf32, #tpu.memory_space<vmem>>, %arg8: memref<!tpu.dma_semaphore, #tpu.memory_space<semaphore_mem>>, %arg9: memref<!tpu.dma_semaphore, #tpu.memory_space<semaphore_mem>>, %arg10: memref<!tpu.dma_semaphore, #tpu.memory_space<semaphore_mem>>, %arg11: memref<!tpu.dma_semaphore, #tpu.memory_space<semaphore_mem>>, %arg12: memref<!tpu.dma_semaphore, #tpu.memory_space<semaphore_mem>>, %arg13: memref<!tpu.dma_semaphore, #tpu.memory_space<semaphore_mem>>, %arg14: memref<!tpu.dma_semaphore, #tpu.memory_space<semaphore_mem>>, %arg15: memref<!tpu.dma_semaphore, #tpu.memory_space<semaphore_mem>>, %arg16: memref<!tpu.dma_semaphore, #tpu.memory_space<semaphore_mem>>, %arg17: memref<!tpu.dma_semaphore, #tpu.memory_space<semaphore_mem>>, %arg18: memref<!tpu.dma_semaphore, #tpu.memory_space<semaphore_mem>>, %arg19: memref<!tpu.dma_semaphore, #tpu.memory_space<semaphore_mem>>, %arg20: memref<!tpu.dma_semaphore, #tpu.memory_space<semaphore_mem>>, %arg21: memref<!tpu.dma_semaphore, #tpu.memory_space<semaphore_mem>>, %arg22: memref<!tpu.dma_semaphore, #tpu.memory_space<semaphore_mem>>, %arg23: memref<!tpu.dma_semaphore, #tpu.memory_space<semaphore_mem>>) attributes {dimension_semantics = [#tpu.dimension_semantics<core_parallel>, #tpu.dimension_semantics<subcore_parallel>], iteration_bounds = array<i64: 2, 16>, scalar_prefetch = 0 : i64, scratch_operands = 19 : i64, tpu.core_type = #tpu.core_type<sc_vector_subcore>, window_params = [{transform_indices = #map}, {transform_indices = #map1}, {transform_indices = #map1}]} {
    %mul3A = arith.constant 2 : i32
    %mul3A_0 = arith.muli %arg1, %mul3A : i32
    %add3A = arith.addi %mul3A_0, %arg0 : i32
    %mul3A_1 = arith.constant 25600 : i32
    %mul3A_2 = arith.muli %add3A, %mul3A_1 : i32
    %eq3A = arith.constant 0 : i32
    %eq3A_3 = arith.cmpi eq, %arg1, %eq3A : i32
    %convert_element_type3A = arith.extui %eq3A_3 : i1 to i32
    %cond3A = arith.constant 0 : i32
    %cond3A_4 = arith.cmpi ne, %convert_element_type3A, %cond3A : i32
    scf.if %cond3A_4 {
      "tpu.region"() ({
        %run_scoped3A = tpu.sem_alloc : memref<!tpu.dma_semaphore, #tpu.memory_space<semaphore_mem>>
        tpu.enqueue_dma source(%arg3 : memref<24x128xf32, #tpu.memory_space<hbm>>) target(%arg6 : memref<24x128xf32, #tpu.memory_space<vmem_shared>>) target_semaphore(%run_scoped3A : memref<!tpu.dma_semaphore, #tpu.memory_space<semaphore_mem>>)
        tpu.wait_dma2 semaphore(%run_scoped3A : memref<!tpu.dma_semaphore, #tpu.memory_space<semaphore_mem>>) src(%arg3 : memref<24x128xf32, #tpu.memory_space<hbm>>) dst(%arg6 : memref<24x128xf32, #tpu.memory_space<vmem_shared>>)
        tpu.yield
      }) : () -> ()
    } else {
    }
    "tpu.region"() ({
      %run_scoped3A = tpu.sem_alloc : memref<!tpu.dma_semaphore, #tpu.memory_space<semaphore_mem>>
      %dma_start3A = arith.constant 0 : i32
      %dma_start3A_129 = arith.constant 0 : i32
      %dma_start3A_130 = tpu.memref_slice %arg2[%add3A, %dma_start3A, %dma_start3A_129] : memref<32x400x64xi32, #tpu.memory_space<hbm>> -> memref<1x400x64xi32, #tpu.memory_space<hbm>>
      %dma_start3A_131 = tpu.memref_squeeze %dma_start3A_130 : memref<1x400x64xi32, #tpu.memory_space<hbm>> -> memref<400x64xi32, #tpu.memory_space<hbm>>
      %dma_start3A_132 = arith.constant 0 : i32
      %dma_start3A_133 = arith.constant 0 : i32
      %dma_start3A_134 = tpu.memref_slice %arg2[%add3A, %dma_start3A_132, %dma_start3A_133] : memref<32x400x64xi32, #tpu.memory_space<hbm>> -> memref<1x400x64xi32, #tpu.memory_space<hbm>>
      %dma_start3A_135 = tpu.memref_squeeze %dma_start3A_134 : memref<1x400x64xi32, #tpu.memory_space<hbm>> -> memref<400x64xi32, #tpu.memory_space<hbm>>
      tpu.enqueue_dma source(%dma_start3A_135 : memref<400x64xi32, #tpu.memory_space<hbm>>) target(%arg5 : memref<400x64xi32, #tpu.memory_space<vmem>>) target_semaphore(%run_scoped3A : memref<!tpu.dma_semaphore, #tpu.memory_space<semaphore_mem>>)
      %dma_wait3A_136 = arith.constant 0 : i32
      %dma_wait3A_137 = arith.constant 0 : i32
      %dma_wait3A_138 = tpu.memref_slice %arg2[%add3A, %dma_wait3A_136, %dma_wait3A_137] : memref<32x400x64xi32, #tpu.memory_space<hbm>> -> memref<1x400x64xi32, #tpu.memory_space<hbm>>
      %dma_wait3A_139 = tpu.memref_squeeze %dma_wait3A_138 : memref<1x400x64xi32, #tpu.memory_space<hbm>> -> memref<400x64xi32, #tpu.memory_space<hbm>>
      %dma_wait3A_140 = arith.constant 0 : i32
      %dma_wait3A_141 = arith.constant 0 : i32
      %dma_wait3A_142 = tpu.memref_slice %arg2[%add3A, %dma_wait3A_140, %dma_wait3A_141] : memref<32x400x64xi32, #tpu.memory_space<hbm>> -> memref<1x400x64xi32, #tpu.memory_space<hbm>>
      %dma_wait3A_143 = tpu.memref_squeeze %dma_wait3A_142 : memref<1x400x64xi32, #tpu.memory_space<hbm>> -> memref<400x64xi32, #tpu.memory_space<hbm>>
      tpu.wait_dma2 semaphore(%run_scoped3A : memref<!tpu.dma_semaphore, #tpu.memory_space<semaphore_mem>>) src(%dma_wait3A_143 : memref<400x64xi32, #tpu.memory_space<hbm>>) dst(%arg5 : memref<400x64xi32, #tpu.memory_space<vmem>>)
      tpu.yield
    }) : () -> ()
    %barrier3A = arith.constant 0 : index
    tpu.barrier barrier_id(%barrier3A)
    %scan3A = arith.constant 0 : i32
    %scan3A_5 = arith.constant 0 : i32
    %scan3A_6 = arith.constant 50 : i32
    %scan3A_7 = arith.addi %scan3A_5, %scan3A_6 : i32
    %scan3A_8 = arith.constant 1 : i32
    scf.for %scan3A_129 = %scan3A_5 to %scan3A_7 step %scan3A_8  : i32 {
      %mul3A_130 = arith.constant 8 : i32
      %mul3A_131 = arith.muli %scan3A_129, %mul3A_130 : i32
      %gt3A = arith.constant 0 : i32
      %gt3A_132 = arith.cmpi sgt, %scan3A_129, %gt3A : i32
      %convert_element_type3A_133 = arith.extui %gt3A_132 : i1 to i32
      %cond3A_134 = arith.constant 0 : i32
      %cond3A_135 = arith.cmpi ne, %convert_element_type3A_133, %cond3A_134 : i32
      scf.if %cond3A_135 {
        %add3A_506 = arith.constant 0 : i32
        %add3A_507 = arith.addi %mul3A_131, %add3A_506 : i32
        %sub3A = arith.constant 8 : i32
        %sub3A_508 = arith.subi %add3A_507, %sub3A : i32
        %mul3A_509 = arith.constant 64 : i32
        %mul3A_510 = arith.muli %sub3A_508, %mul3A_509 : i32
        %add3A_511 = arith.addi %mul3A_2, %mul3A_510 : i32
        %dma_wait3A_512 = arith.constant 0 : i32
        %dma_wait3A_513 = arith.constant 0 : i32
        %dma_wait3A_514 = arith.constant 0 : i32
        %dma_wait3A_515 = tpu.memref_slice %arg7[%dma_wait3A_512, %dma_wait3A_513, %dma_wait3A_514] : memref<8x64x128xf32, #tpu.memory_space<vmem>> -> memref<1x64x128xf32, #tpu.memory_space<vmem>>
        %dma_wait3A_516 = tpu.memref_squeeze %dma_wait3A_515 : memref<1x64x128xf32, #tpu.memory_space<vmem>> -> memref<64x128xf32, #tpu.memory_space<vmem>>
        %dma_wait3A_517 = arith.constant 0 : i32
        %dma_wait3A_518 = tpu.memref_slice %arg4[%add3A_511, %dma_wait3A_517] : memref<819200x128xf32, #tpu.memory_space<hbm>> -> memref<64x128xf32, #tpu.memory_space<hbm>>
        %dma_wait3A_519 = arith.constant 0 : i32
        %dma_wait3A_520 = tpu.memref_slice %arg4[%add3A_511, %dma_wait3A_519] : memref<819200x128xf32, #tpu.memory_space<hbm>> -> memref<64x128xf32, #tpu.memory_space<hbm>>
        %dma_wait3A_521 = arith.constant 0 : i32
        %dma_wait3A_522 = arith.constant 0 : i32
        %dma_wait3A_523 = tpu.memref_slice %arg7[%dma_wait3A_512, %dma_wait3A_521, %dma_wait3A_522] : memref<8x64x128xf32, #tpu.memory_space<vmem>> -> memref<1x64x128xf32, #tpu.memory_space<vmem>>
        %dma_wait3A_524 = tpu.memref_squeeze %dma_wait3A_523 : memref<1x64x128xf32, #tpu.memory_space<vmem>> -> memref<64x128xf32, #tpu.memory_space<vmem>>
        tpu.wait_dma2 semaphore(%arg16 : memref<!tpu.dma_semaphore, #tpu.memory_space<semaphore_mem>>) src(%dma_wait3A_524 : memref<64x128xf32, #tpu.memory_space<vmem>>) dst(%dma_wait3A_520 : memref<64x128xf32, #tpu.memory_space<hbm>>)
      } else {
      }
      %add3A_136 = arith.constant 0 : i32
      %add3A_137 = arith.addi %mul3A_131, %add3A_136 : i32
      %dma_start3A = arith.constant 0 : i32
      %dma_start3A_138 = arith.constant 0 : i32
      %dma_start3A_139 = arith.constant 0 : i32
      %dma_start3A_140 = tpu.memref_slice %arg7[%dma_start3A, %dma_start3A_138, %dma_start3A_139] : memref<8x64x128xf32, #tpu.memory_space<vmem>> -> memref<1x64x128xf32, #tpu.memory_space<vmem>>
      %dma_start3A_141 = tpu.memref_squeeze %dma_start3A_140 : memref<1x64x128xf32, #tpu.memory_space<vmem>> -> memref<64x128xf32, #tpu.memory_space<vmem>>
      %dma_start3A_142 = arith.constant 0 : i32
      %dma_start3A_143 = tpu.memref_slice %arg5[%add3A_137, %dma_start3A_142] : memref<400x64xi32, #tpu.memory_space<vmem>> -> memref<1x64xi32, #tpu.memory_space<vmem>>
      %dma_start3A_144 = tpu.memref_squeeze %dma_start3A_143 : memref<1x64xi32, #tpu.memory_space<vmem>> -> memref<64xi32, #tpu.memory_space<vmem>>
      %dma_start3A_145 = arith.constant 0 : i32
      %dma_start3A_146 = arith.constant 0 : i32
      %dma_start3A_147 = tpu.memref_slice %arg6[%dma_start3A_145, %dma_start3A_146] : memref<24x128xf32, #tpu.memory_space<vmem_shared>> -> memref<24x128xf32, #tpu.memory_space<vmem_shared>>
      tpu.enqueue_indirect_dma source(%dma_start3A_147 : memref<24x128xf32, #tpu.memory_space<vmem_shared>>) target(%dma_start3A_141 : memref<64x128xf32, #tpu.memory_space<vmem>>) offsets(%dma_start3A_144 : memref<64xi32, #tpu.memory_space<vmem>>) semaphore(%arg8 : memref<!tpu.dma_semaphore, #tpu.memory_space<semaphore_mem>>)
      %gt3A_148 = arith.constant 0 : i32
      %gt3A_149 = arith.cmpi sgt, %scan3A_129, %gt3A_148 : i32
      %convert_element_type3A_150 = arith.extui %gt3A_149 : i1 to i32
      %cond3A_151 = arith.constant 0 : i32
      %cond3A_152 = arith.cmpi ne, %convert_element_type3A_150, %cond3A_151 : i32
      scf.if %cond3A_152 {
        %add3A_506 = arith.constant 1 : i32
        %add3A_507 = arith.addi %mul3A_131, %add3A_506 : i32
        %sub3A = arith.constant 8 : i32
        %sub3A_508 = arith.subi %add3A_507, %sub3A : i32
        %mul3A_509 = arith.constant 64 : i32
        %mul3A_510 = arith.muli %sub3A_508, %mul3A_509 : i32
        %add3A_511 = arith.addi %mul3A_2, %mul3A_510 : i32
        %dma_wait3A_512 = arith.constant 1 : i32
        %dma_wait3A_513 = arith.constant 0 : i32
        %dma_wait3A_514 = arith.constant 0 : i32
        %dma_wait3A_515 = tpu.memref_slice %arg7[%dma_wait3A_512, %dma_wait3A_513, %dma_wait3A_514] : memref<8x64x128xf32, #tpu.memory_space<vmem>> -> memref<1x64x128xf32, #tpu.memory_space<vmem>>
        %dma_wait3A_516 = tpu.memref_squeeze %dma_wait3A_515 : memref<1x64x128xf32, #tpu.memory_space<vmem>> -> memref<64x128xf32, #tpu.memory_space<vmem>>
        %dma_wait3A_517 = arith.constant 0 : i32
        %dma_wait3A_518 = tpu.memref_slice %arg4[%add3A_511, %dma_wait3A_517] : memref<819200x128xf32, #tpu.memory_space<hbm>> -> memref<64x128xf32, #tpu.memory_space<hbm>>
        %dma_wait3A_519 = arith.constant 0 : i32
        %dma_wait3A_520 = tpu.memref_slice %arg4[%add3A_511, %dma_wait3A_519] : memref<819200x128xf32, #tpu.memory_space<hbm>> -> memref<64x128xf32, #tpu.memory_space<hbm>>
        %dma_wait3A_521 = arith.constant 0 : i32
        %dma_wait3A_522 = arith.constant 0 : i32
        %dma_wait3A_523 = tpu.memref_slice %arg7[%dma_wait3A_512, %dma_wait3A_521, %dma_wait3A_522] : memref<8x64x128xf32, #tpu.memory_space<vmem>> -> memref<1x64x128xf32, #tpu.memory_space<vmem>>
        %dma_wait3A_524 = tpu.memref_squeeze %dma_wait3A_523 : memref<1x64x128xf32, #tpu.memory_space<vmem>> -> memref<64x128xf32, #tpu.memory_space<vmem>>
        tpu.wait_dma2 semaphore(%arg17 : memref<!tpu.dma_semaphore, #tpu.memory_space<semaphore_mem>>) src(%dma_wait3A_524 : memref<64x128xf32, #tpu.memory_space<vmem>>) dst(%dma_wait3A_520 : memref<64x128xf32, #tpu.memory_space<hbm>>)
      } else {
      }
      %add3A_153 = arith.constant 1 : i32
      %add3A_154 = arith.addi %mul3A_131, %add3A_153 : i32
      %dma_start3A_155 = arith.constant 1 : i32
      %dma_start3A_156 = arith.constant 0 : i32
      %dma_start3A_157 = arith.constant 0 : i32
      %dma_start3A_158 = tpu.memref_slice %arg7[%dma_start3A_155, %dma_start3A_156, %dma_start3A_157] : memref<8x64x128xf32, #tpu.memory_space<vmem>> -> memref<1x64x128xf32, #tpu.memory_space<vmem>>
      %dma_start3A_159 = tpu.memref_squeeze %dma_start3A_158 : memref<1x64x128xf32, #tpu.memory_space<vmem>> -> memref<64x128xf32, #tpu.memory_space<vmem>>
      %dma_start3A_160 = arith.constant 0 : i32
      %dma_start3A_161 = tpu.memref_slice %arg5[%add3A_154, %dma_start3A_160] : memref<400x64xi32, #tpu.memory_space<vmem>> -> memref<1x64xi32, #tpu.memory_space<vmem>>
      %dma_start3A_162 = tpu.memref_squeeze %dma_start3A_161 : memref<1x64xi32, #tpu.memory_space<vmem>> -> memref<64xi32, #tpu.memory_space<vmem>>
      %dma_start3A_163 = arith.constant 0 : i32
      %dma_start3A_164 = arith.constant 0 : i32
      %dma_start3A_165 = tpu.memref_slice %arg6[%dma_start3A_163, %dma_start3A_164] : memref<24x128xf32, #tpu.memory_space<vmem_shared>> -> memref<24x128xf32, #tpu.memory_space<vmem_shared>>
      tpu.enqueue_indirect_dma source(%dma_start3A_165 : memref<24x128xf32, #tpu.memory_space<vmem_shared>>) target(%dma_start3A_159 : memref<64x128xf32, #tpu.memory_space<vmem>>) offsets(%dma_start3A_162 : memref<64xi32, #tpu.memory_space<vmem>>) semaphore(%arg9 : memref<!tpu.dma_semaphore, #tpu.memory_space<semaphore_mem>>)
      %gt3A_166 = arith.constant 0 : i32
      %gt3A_167 = arith.cmpi sgt, %scan3A_129, %gt3A_166 : i32
      %convert_element_type3A_168 = arith.extui %gt3A_167 : i1 to i32
      %cond3A_169 = arith.constant 0 : i32
      %cond3A_170 = arith.cmpi ne, %convert_element_type3A_168, %cond3A_169 : i32
      scf.if %cond3A_170 {
        %add3A_506 = arith.constant 2 : i32
        %add3A_507 = arith.addi %mul3A_131, %add3A_506 : i32
        %sub3A = arith.constant 8 : i32
        %sub3A_508 = arith.subi %add3A_507, %sub3A : i32
        %mul3A_509 = arith.constant 64 : i32
        %mul3A_510 = arith.muli %sub3A_508, %mul3A_509 : i32
        %add3A_511 = arith.addi %mul3A_2, %mul3A_510 : i32
        %dma_wait3A_512 = arith.constant 2 : i32
        %dma_wait3A_513 = arith.constant 0 : i32
        %dma_wait3A_514 = arith.constant 0 : i32
        %dma_wait3A_515 = tpu.memref_slice %arg7[%dma_wait3A_512, %dma_wait3A_513, %dma_wait3A_514] : memref<8x64x128xf32, #tpu.memory_space<vmem>> -> memref<1x64x128xf32, #tpu.memory_space<vmem>>
        %dma_wait3A_516 = tpu.memref_squeeze %dma_wait3A_515 : memref<1x64x128xf32, #tpu.memory_space<vmem>> -> memref<64x128xf32, #tpu.memory_space<vmem>>
        %dma_wait3A_517 = arith.constant 0 : i32
        %dma_wait3A_518 = tpu.memref_slice %arg4[%add3A_511, %dma_wait3A_517] : memref<819200x128xf32, #tpu.memory_space<hbm>> -> memref<64x128xf32, #tpu.memory_space<hbm>>
        %dma_wait3A_519 = arith.constant 0 : i32
        %dma_wait3A_520 = tpu.memref_slice %arg4[%add3A_511, %dma_wait3A_519] : memref<819200x128xf32, #tpu.memory_space<hbm>> -> memref<64x128xf32, #tpu.memory_space<hbm>>
        %dma_wait3A_521 = arith.constant 0 : i32
        %dma_wait3A_522 = arith.constant 0 : i32
        %dma_wait3A_523 = tpu.memref_slice %arg7[%dma_wait3A_512, %dma_wait3A_521, %dma_wait3A_522] : memref<8x64x128xf32, #tpu.memory_space<vmem>> -> memref<1x64x128xf32, #tpu.memory_space<vmem>>
        %dma_wait3A_524 = tpu.memref_squeeze %dma_wait3A_523 : memref<1x64x128xf32, #tpu.memory_space<vmem>> -> memref<64x128xf32, #tpu.memory_space<vmem>>
        tpu.wait_dma2 semaphore(%arg18 : memref<!tpu.dma_semaphore, #tpu.memory_space<semaphore_mem>>) src(%dma_wait3A_524 : memref<64x128xf32, #tpu.memory_space<vmem>>) dst(%dma_wait3A_520 : memref<64x128xf32, #tpu.memory_space<hbm>>)
      } else {
      }
      %add3A_171 = arith.constant 2 : i32
      %add3A_172 = arith.addi %mul3A_131, %add3A_171 : i32
      %dma_start3A_173 = arith.constant 2 : i32
      %dma_start3A_174 = arith.constant 0 : i32
      %dma_start3A_175 = arith.constant 0 : i32
      %dma_start3A_176 = tpu.memref_slice %arg7[%dma_start3A_173, %dma_start3A_174, %dma_start3A_175] : memref<8x64x128xf32, #tpu.memory_space<vmem>> -> memref<1x64x128xf32, #tpu.memory_space<vmem>>
      %dma_start3A_177 = tpu.memref_squeeze %dma_start3A_176 : memref<1x64x128xf32, #tpu.memory_space<vmem>> -> memref<64x128xf32, #tpu.memory_space<vmem>>
      %dma_start3A_178 = arith.constant 0 : i32
      %dma_start3A_179 = tpu.memref_slice %arg5[%add3A_172, %dma_start3A_178] : memref<400x64xi32, #tpu.memory_space<vmem>> -> memref<1x64xi32, #tpu.memory_space<vmem>>
      %dma_start3A_180 = tpu.memref_squeeze %dma_start3A_179 : memref<1x64xi32, #tpu.memory_space<vmem>> -> memref<64xi32, #tpu.memory_space<vmem>>
      %dma_start3A_181 = arith.constant 0 : i32
      %dma_start3A_182 = arith.constant 0 : i32
      %dma_start3A_183 = tpu.memref_slice %arg6[%dma_start3A_181, %dma_start3A_182] : memref<24x128xf32, #tpu.memory_space<vmem_shared>> -> memref<24x128xf32, #tpu.memory_space<vmem_shared>>
      tpu.enqueue_indirect_dma source(%dma_start3A_183 : memref<24x128xf32, #tpu.memory_space<vmem_shared>>) target(%dma_start3A_177 : memref<64x128xf32, #tpu.memory_space<vmem>>) offsets(%dma_start3A_180 : memref<64xi32, #tpu.memory_space<vmem>>) semaphore(%arg10 : memref<!tpu.dma_semaphore, #tpu.memory_space<semaphore_mem>>)
      %gt3A_184 = arith.constant 0 : i32
      %gt3A_185 = arith.cmpi sgt, %scan3A_129, %gt3A_184 : i32
      %convert_element_type3A_186 = arith.extui %gt3A_185 : i1 to i32
      %cond3A_187 = arith.constant 0 : i32
      %cond3A_188 = arith.cmpi ne, %convert_element_type3A_186, %cond3A_187 : i32
      scf.if %cond3A_188 {
        %add3A_506 = arith.constant 3 : i32
        %add3A_507 = arith.addi %mul3A_131, %add3A_506 : i32
        %sub3A = arith.constant 8 : i32
        %sub3A_508 = arith.subi %add3A_507, %sub3A : i32
        %mul3A_509 = arith.constant 64 : i32
        %mul3A_510 = arith.muli %sub3A_508, %mul3A_509 : i32
        %add3A_511 = arith.addi %mul3A_2, %mul3A_510 : i32
        %dma_wait3A_512 = arith.constant 3 : i32
        %dma_wait3A_513 = arith.constant 0 : i32
        %dma_wait3A_514 = arith.constant 0 : i32
        %dma_wait3A_515 = tpu.memref_slice %arg7[%dma_wait3A_512, %dma_wait3A_513, %dma_wait3A_514] : memref<8x64x128xf32, #tpu.memory_space<vmem>> -> memref<1x64x128xf32, #tpu.memory_space<vmem>>
        %dma_wait3A_516 = tpu.memref_squeeze %dma_wait3A_515 : memref<1x64x128xf32, #tpu.memory_space<vmem>> -> memref<64x128xf32, #tpu.memory_space<vmem>>
        %dma_wait3A_517 = arith.constant 0 : i32
        %dma_wait3A_518 = tpu.memref_slice %arg4[%add3A_511, %dma_wait3A_517] : memref<819200x128xf32, #tpu.memory_space<hbm>> -> memref<64x128xf32, #tpu.memory_space<hbm>>
        %dma_wait3A_519 = arith.constant 0 : i32
        %dma_wait3A_520 = tpu.memref_slice %arg4[%add3A_511, %dma_wait3A_519] : memref<819200x128xf32, #tpu.memory_space<hbm>> -> memref<64x128xf32, #tpu.memory_space<hbm>>
        %dma_wait3A_521 = arith.constant 0 : i32
        %dma_wait3A_522 = arith.constant 0 : i32
        %dma_wait3A_523 = tpu.memref_slice %arg7[%dma_wait3A_512, %dma_wait3A_521, %dma_wait3A_522] : memref<8x64x128xf32, #tpu.memory_space<vmem>> -> memref<1x64x128xf32, #tpu.memory_space<vmem>>
        %dma_wait3A_524 = tpu.memref_squeeze %dma_wait3A_523 : memref<1x64x128xf32, #tpu.memory_space<vmem>> -> memref<64x128xf32, #tpu.memory_space<vmem>>
        tpu.wait_dma2 semaphore(%arg19 : memref<!tpu.dma_semaphore, #tpu.memory_space<semaphore_mem>>) src(%dma_wait3A_524 : memref<64x128xf32, #tpu.memory_space<vmem>>) dst(%dma_wait3A_520 : memref<64x128xf32, #tpu.memory_space<hbm>>)
      } else {
      }
      %add3A_189 = arith.constant 3 : i32
      %add3A_190 = arith.addi %mul3A_131, %add3A_189 : i32
      %dma_start3A_191 = arith.constant 3 : i32
      %dma_start3A_192 = arith.constant 0 : i32
      %dma_start3A_193 = arith.constant 0 : i32
      %dma_start3A_194 = tpu.memref_slice %arg7[%dma_start3A_191, %dma_start3A_192, %dma_start3A_193] : memref<8x64x128xf32, #tpu.memory_space<vmem>> -> memref<1x64x128xf32, #tpu.memory_space<vmem>>
      %dma_start3A_195 = tpu.memref_squeeze %dma_start3A_194 : memref<1x64x128xf32, #tpu.memory_space<vmem>> -> memref<64x128xf32, #tpu.memory_space<vmem>>
      %dma_start3A_196 = arith.constant 0 : i32
      %dma_start3A_197 = tpu.memref_slice %arg5[%add3A_190, %dma_start3A_196] : memref<400x64xi32, #tpu.memory_space<vmem>> -> memref<1x64xi32, #tpu.memory_space<vmem>>
      %dma_start3A_198 = tpu.memref_squeeze %dma_start3A_197 : memref<1x64xi32, #tpu.memory_space<vmem>> -> memref<64xi32, #tpu.memory_space<vmem>>
      %dma_start3A_199 = arith.constant 0 : i32
      %dma_start3A_200 = arith.constant 0 : i32
      %dma_start3A_201 = tpu.memref_slice %arg6[%dma_start3A_199, %dma_start3A_200] : memref<24x128xf32, #tpu.memory_space<vmem_shared>> -> memref<24x128xf32, #tpu.memory_space<vmem_shared>>
      tpu.enqueue_indirect_dma source(%dma_start3A_201 : memref<24x128xf32, #tpu.memory_space<vmem_shared>>) target(%dma_start3A_195 : memref<64x128xf32, #tpu.memory_space<vmem>>) offsets(%dma_start3A_198 : memref<64xi32, #tpu.memory_space<vmem>>) semaphore(%arg11 : memref<!tpu.dma_semaphore, #tpu.memory_space<semaphore_mem>>)
      %gt3A_202 = arith.constant 0 : i32
      %gt3A_203 = arith.cmpi sgt, %scan3A_129, %gt3A_202 : i32
      %convert_element_type3A_204 = arith.extui %gt3A_203 : i1 to i32
      %cond3A_205 = arith.constant 0 : i32
      %cond3A_206 = arith.cmpi ne, %convert_element_type3A_204, %cond3A_205 : i32
      scf.if %cond3A_206 {
        %add3A_506 = arith.constant 4 : i32
        %add3A_507 = arith.addi %mul3A_131, %add3A_506 : i32
        %sub3A = arith.constant 8 : i32
        %sub3A_508 = arith.subi %add3A_507, %sub3A : i32
        %mul3A_509 = arith.constant 64 : i32
        %mul3A_510 = arith.muli %sub3A_508, %mul3A_509 : i32
        %add3A_511 = arith.addi %mul3A_2, %mul3A_510 : i32
        %dma_wait3A_512 = arith.constant 4 : i32
        %dma_wait3A_513 = arith.constant 0 : i32
        %dma_wait3A_514 = arith.constant 0 : i32
        %dma_wait3A_515 = tpu.memref_slice %arg7[%dma_wait3A_512, %dma_wait3A_513, %dma_wait3A_514] : memref<8x64x128xf32, #tpu.memory_space<vmem>> -> memref<1x64x128xf32, #tpu.memory_space<vmem>>
        %dma_wait3A_516 = tpu.memref_squeeze %dma_wait3A_515 : memref<1x64x128xf32, #tpu.memory_space<vmem>> -> memref<64x128xf32, #tpu.memory_space<vmem>>
        %dma_wait3A_517 = arith.constant 0 : i32
        %dma_wait3A_518 = tpu.memref_slice %arg4[%add3A_511, %dma_wait3A_517] : memref<819200x128xf32, #tpu.memory_space<hbm>> -> memref<64x128xf32, #tpu.memory_space<hbm>>
        %dma_wait3A_519 = arith.constant 0 : i32
        %dma_wait3A_520 = tpu.memref_slice %arg4[%add3A_511, %dma_wait3A_519] : memref<819200x128xf32, #tpu.memory_space<hbm>> -> memref<64x128xf32, #tpu.memory_space<hbm>>
        %dma_wait3A_521 = arith.constant 0 : i32
        %dma_wait3A_522 = arith.constant 0 : i32
        %dma_wait3A_523 = tpu.memref_slice %arg7[%dma_wait3A_512, %dma_wait3A_521, %dma_wait3A_522] : memref<8x64x128xf32, #tpu.memory_space<vmem>> -> memref<1x64x128xf32, #tpu.memory_space<vmem>>
        %dma_wait3A_524 = tpu.memref_squeeze %dma_wait3A_523 : memref<1x64x128xf32, #tpu.memory_space<vmem>> -> memref<64x128xf32, #tpu.memory_space<vmem>>
        tpu.wait_dma2 semaphore(%arg20 : memref<!tpu.dma_semaphore, #tpu.memory_space<semaphore_mem>>) src(%dma_wait3A_524 : memref<64x128xf32, #tpu.memory_space<vmem>>) dst(%dma_wait3A_520 : memref<64x128xf32, #tpu.memory_space<hbm>>)
      } else {
      }
      %add3A_207 = arith.constant 4 : i32
      %add3A_208 = arith.addi %mul3A_131, %add3A_207 : i32
      %dma_start3A_209 = arith.constant 4 : i32
      %dma_start3A_210 = arith.constant 0 : i32
      %dma_start3A_211 = arith.constant 0 : i32
      %dma_start3A_212 = tpu.memref_slice %arg7[%dma_start3A_209, %dma_start3A_210, %dma_start3A_211] : memref<8x64x128xf32, #tpu.memory_space<vmem>> -> memref<1x64x128xf32, #tpu.memory_space<vmem>>
      %dma_start3A_213 = tpu.memref_squeeze %dma_start3A_212 : memref<1x64x128xf32, #tpu.memory_space<vmem>> -> memref<64x128xf32, #tpu.memory_space<vmem>>
      %dma_start3A_214 = arith.constant 0 : i32
      %dma_start3A_215 = tpu.memref_slice %arg5[%add3A_208, %dma_start3A_214] : memref<400x64xi32, #tpu.memory_space<vmem>> -> memref<1x64xi32, #tpu.memory_space<vmem>>
      %dma_start3A_216 = tpu.memref_squeeze %dma_start3A_215 : memref<1x64xi32, #tpu.memory_space<vmem>> -> memref<64xi32, #tpu.memory_space<vmem>>
      %dma_start3A_217 = arith.constant 0 : i32
      %dma_start3A_218 = arith.constant 0 : i32
      %dma_start3A_219 = tpu.memref_slice %arg6[%dma_start3A_217, %dma_start3A_218] : memref<24x128xf32, #tpu.memory_space<vmem_shared>> -> memref<24x128xf32, #tpu.memory_space<vmem_shared>>
      tpu.enqueue_indirect_dma source(%dma_start3A_219 : memref<24x128xf32, #tpu.memory_space<vmem_shared>>) target(%dma_start3A_213 : memref<64x128xf32, #tpu.memory_space<vmem>>) offsets(%dma_start3A_216 : memref<64xi32, #tpu.memory_space<vmem>>) semaphore(%arg12 : memref<!tpu.dma_semaphore, #tpu.memory_space<semaphore_mem>>)
      %gt3A_220 = arith.constant 0 : i32
      %gt3A_221 = arith.cmpi sgt, %scan3A_129, %gt3A_220 : i32
      %convert_element_type3A_222 = arith.extui %gt3A_221 : i1 to i32
      %cond3A_223 = arith.constant 0 : i32
      %cond3A_224 = arith.cmpi ne, %convert_element_type3A_222, %cond3A_223 : i32
      scf.if %cond3A_224 {
        %add3A_506 = arith.constant 5 : i32
        %add3A_507 = arith.addi %mul3A_131, %add3A_506 : i32
        %sub3A = arith.constant 8 : i32
        %sub3A_508 = arith.subi %add3A_507, %sub3A : i32
        %mul3A_509 = arith.constant 64 : i32
        %mul3A_510 = arith.muli %sub3A_508, %mul3A_509 : i32
        %add3A_511 = arith.addi %mul3A_2, %mul3A_510 : i32
        %dma_wait3A_512 = arith.constant 5 : i32
        %dma_wait3A_513 = arith.constant 0 : i32
        %dma_wait3A_514 = arith.constant 0 : i32
        %dma_wait3A_515 = tpu.memref_slice %arg7[%dma_wait3A_512, %dma_wait3A_513, %dma_wait3A_514] : memref<8x64x128xf32, #tpu.memory_space<vmem>> -> memref<1x64x128xf32, #tpu.memory_space<vmem>>
        %dma_wait3A_516 = tpu.memref_squeeze %dma_wait3A_515 : memref<1x64x128xf32, #tpu.memory_space<vmem>> -> memref<64x128xf32, #tpu.memory_space<vmem>>
        %dma_wait3A_517 = arith.constant 0 : i32
        %dma_wait3A_518 = tpu.memref_slice %arg4[%add3A_511, %dma_wait3A_517] : memref<819200x128xf32, #tpu.memory_space<hbm>> -> memref<64x128xf32, #tpu.memory_space<hbm>>
        %dma_wait3A_519 = arith.constant 0 : i32
        %dma_wait3A_520 = tpu.memref_slice %arg4[%add3A_511, %dma_wait3A_519] : memref<819200x128xf32, #tpu.memory_space<hbm>> -> memref<64x128xf32, #tpu.memory_space<hbm>>
        %dma_wait3A_521 = arith.constant 0 : i32
        %dma_wait3A_522 = arith.constant 0 : i32
        %dma_wait3A_523 = tpu.memref_slice %arg7[%dma_wait3A_512, %dma_wait3A_521, %dma_wait3A_522] : memref<8x64x128xf32, #tpu.memory_space<vmem>> -> memref<1x64x128xf32, #tpu.memory_space<vmem>>
        %dma_wait3A_524 = tpu.memref_squeeze %dma_wait3A_523 : memref<1x64x128xf32, #tpu.memory_space<vmem>> -> memref<64x128xf32, #tpu.memory_space<vmem>>
        tpu.wait_dma2 semaphore(%arg21 : memref<!tpu.dma_semaphore, #tpu.memory_space<semaphore_mem>>) src(%dma_wait3A_524 : memref<64x128xf32, #tpu.memory_space<vmem>>) dst(%dma_wait3A_520 : memref<64x128xf32, #tpu.memory_space<hbm>>)
      } else {
      }
      %add3A_225 = arith.constant 5 : i32
      %add3A_226 = arith.addi %mul3A_131, %add3A_225 : i32
      %dma_start3A_227 = arith.constant 5 : i32
      %dma_start3A_228 = arith.constant 0 : i32
      %dma_start3A_229 = arith.constant 0 : i32
      %dma_start3A_230 = tpu.memref_slice %arg7[%dma_start3A_227, %dma_start3A_228, %dma_start3A_229] : memref<8x64x128xf32, #tpu.memory_space<vmem>> -> memref<1x64x128xf32, #tpu.memory_space<vmem>>
      %dma_start3A_231 = tpu.memref_squeeze %dma_start3A_230 : memref<1x64x128xf32, #tpu.memory_space<vmem>> -> memref<64x128xf32, #tpu.memory_space<vmem>>
      %dma_start3A_232 = arith.constant 0 : i32
      %dma_start3A_233 = tpu.memref_slice %arg5[%add3A_226, %dma_start3A_232] : memref<400x64xi32, #tpu.memory_space<vmem>> -> memref<1x64xi32, #tpu.memory_space<vmem>>
      %dma_start3A_234 = tpu.memref_squeeze %dma_start3A_233 : memref<1x64xi32, #tpu.memory_space<vmem>> -> memref<64xi32, #tpu.memory_space<vmem>>
      %dma_start3A_235 = arith.constant 0 : i32
      %dma_start3A_236 = arith.constant 0 : i32
      %dma_start3A_237 = tpu.memref_slice %arg6[%dma_start3A_235, %dma_start3A_236] : memref<24x128xf32, #tpu.memory_space<vmem_shared>> -> memref<24x128xf32, #tpu.memory_space<vmem_shared>>
      tpu.enqueue_indirect_dma source(%dma_start3A_237 : memref<24x128xf32, #tpu.memory_space<vmem_shared>>) target(%dma_start3A_231 : memref<64x128xf32, #tpu.memory_space<vmem>>) offsets(%dma_start3A_234 : memref<64xi32, #tpu.memory_space<vmem>>) semaphore(%arg13 : memref<!tpu.dma_semaphore, #tpu.memory_space<semaphore_mem>>)
      %gt3A_238 = arith.constant 0 : i32
      %gt3A_239 = arith.cmpi sgt, %scan3A_129, %gt3A_238 : i32
      %convert_element_type3A_240 = arith.extui %gt3A_239 : i1 to i32
      %cond3A_241 = arith.constant 0 : i32
      %cond3A_242 = arith.cmpi ne, %convert_element_type3A_240, %cond3A_241 : i32
      scf.if %cond3A_242 {
        %add3A_506 = arith.constant 6 : i32
        %add3A_507 = arith.addi %mul3A_131, %add3A_506 : i32
        %sub3A = arith.constant 8 : i32
        %sub3A_508 = arith.subi %add3A_507, %sub3A : i32
        %mul3A_509 = arith.constant 64 : i32
        %mul3A_510 = arith.muli %sub3A_508, %mul3A_509 : i32
        %add3A_511 = arith.addi %mul3A_2, %mul3A_510 : i32
        %dma_wait3A_512 = arith.constant 6 : i32
        %dma_wait3A_513 = arith.constant 0 : i32
        %dma_wait3A_514 = arith.constant 0 : i32
        %dma_wait3A_515 = tpu.memref_slice %arg7[%dma_wait3A_512, %dma_wait3A_513, %dma_wait3A_514] : memref<8x64x128xf32, #tpu.memory_space<vmem>> -> memref<1x64x128xf32, #tpu.memory_space<vmem>>
        %dma_wait3A_516 = tpu.memref_squeeze %dma_wait3A_515 : memref<1x64x128xf32, #tpu.memory_space<vmem>> -> memref<64x128xf32, #tpu.memory_space<vmem>>
        %dma_wait3A_517 = arith.constant 0 : i32
        %dma_wait3A_518 = tpu.memref_slice %arg4[%add3A_511, %dma_wait3A_517] : memref<819200x128xf32, #tpu.memory_space<hbm>> -> memref<64x128xf32, #tpu.memory_space<hbm>>
        %dma_wait3A_519 = arith.constant 0 : i32
        %dma_wait3A_520 = tpu.memref_slice %arg4[%add3A_511, %dma_wait3A_519] : memref<819200x128xf32, #tpu.memory_space<hbm>> -> memref<64x128xf32, #tpu.memory_space<hbm>>
        %dma_wait3A_521 = arith.constant 0 : i32
        %dma_wait3A_522 = arith.constant 0 : i32
        %dma_wait3A_523 = tpu.memref_slice %arg7[%dma_wait3A_512, %dma_wait3A_521, %dma_wait3A_522] : memref<8x64x128xf32, #tpu.memory_space<vmem>> -> memref<1x64x128xf32, #tpu.memory_space<vmem>>
        %dma_wait3A_524 = tpu.memref_squeeze %dma_wait3A_523 : memref<1x64x128xf32, #tpu.memory_space<vmem>> -> memref<64x128xf32, #tpu.memory_space<vmem>>
        tpu.wait_dma2 semaphore(%arg22 : memref<!tpu.dma_semaphore, #tpu.memory_space<semaphore_mem>>) src(%dma_wait3A_524 : memref<64x128xf32, #tpu.memory_space<vmem>>) dst(%dma_wait3A_520 : memref<64x128xf32, #tpu.memory_space<hbm>>)
      } else {
      }
      %add3A_243 = arith.constant 6 : i32
      %add3A_244 = arith.addi %mul3A_131, %add3A_243 : i32
      %dma_start3A_245 = arith.constant 6 : i32
      %dma_start3A_246 = arith.constant 0 : i32
      %dma_start3A_247 = arith.constant 0 : i32
      %dma_start3A_248 = tpu.memref_slice %arg7[%dma_start3A_245, %dma_start3A_246, %dma_start3A_247] : memref<8x64x128xf32, #tpu.memory_space<vmem>> -> memref<1x64x128xf32, #tpu.memory_space<vmem>>
      %dma_start3A_249 = tpu.memref_squeeze %dma_start3A_248 : memref<1x64x128xf32, #tpu.memory_space<vmem>> -> memref<64x128xf32, #tpu.memory_space<vmem>>
      %dma_start3A_250 = arith.constant 0 : i32
      %dma_start3A_251 = tpu.memref_slice %arg5[%add3A_244, %dma_start3A_250] : memref<400x64xi32, #tpu.memory_space<vmem>> -> memref<1x64xi32, #tpu.memory_space<vmem>>
      %dma_start3A_252 = tpu.memref_squeeze %dma_start3A_251 : memref<1x64xi32, #tpu.memory_space<vmem>> -> memref<64xi32, #tpu.memory_space<vmem>>
      %dma_start3A_253 = arith.constant 0 : i32
      %dma_start3A_254 = arith.constant 0 : i32
      %dma_start3A_255 = tpu.memref_slice %arg6[%dma_start3A_253, %dma_start3A_254] : memref<24x128xf32, #tpu.memory_space<vmem_shared>> -> memref<24x128xf32, #tpu.memory_space<vmem_shared>>
      tpu.enqueue_indirect_dma source(%dma_start3A_255 : memref<24x128xf32, #tpu.memory_space<vmem_shared>>) target(%dma_start3A_249 : memref<64x128xf32, #tpu.memory_space<vmem>>) offsets(%dma_start3A_252 : memref<64xi32, #tpu.memory_space<vmem>>) semaphore(%arg14 : memref<!tpu.dma_semaphore, #tpu.memory_space<semaphore_mem>>)
      %gt3A_256 = arith.constant 0 : i32
      %gt3A_257 = arith.cmpi sgt, %scan3A_129, %gt3A_256 : i32
      %convert_element_type3A_258 = arith.extui %gt3A_257 : i1 to i32
      %cond3A_259 = arith.constant 0 : i32
      %cond3A_260 = arith.cmpi ne, %convert_element_type3A_258, %cond3A_259 : i32
      scf.if %cond3A_260 {
        %add3A_506 = arith.constant 7 : i32
        %add3A_507 = arith.addi %mul3A_131, %add3A_506 : i32
        %sub3A = arith.constant 8 : i32
        %sub3A_508 = arith.subi %add3A_507, %sub3A : i32
        %mul3A_509 = arith.constant 64 : i32
        %mul3A_510 = arith.muli %sub3A_508, %mul3A_509 : i32
        %add3A_511 = arith.addi %mul3A_2, %mul3A_510 : i32
        %dma_wait3A_512 = arith.constant 7 : i32
        %dma_wait3A_513 = arith.constant 0 : i32
        %dma_wait3A_514 = arith.constant 0 : i32
        %dma_wait3A_515 = tpu.memref_slice %arg7[%dma_wait3A_512, %dma_wait3A_513, %dma_wait3A_514] : memref<8x64x128xf32, #tpu.memory_space<vmem>> -> memref<1x64x128xf32, #tpu.memory_space<vmem>>
        %dma_wait3A_516 = tpu.memref_squeeze %dma_wait3A_515 : memref<1x64x128xf32, #tpu.memory_space<vmem>> -> memref<64x128xf32, #tpu.memory_space<vmem>>
        %dma_wait3A_517 = arith.constant 0 : i32
        %dma_wait3A_518 = tpu.memref_slice %arg4[%add3A_511, %dma_wait3A_517] : memref<819200x128xf32, #tpu.memory_space<hbm>> -> memref<64x128xf32, #tpu.memory_space<hbm>>
        %dma_wait3A_519 = arith.constant 0 : i32
        %dma_wait3A_520 = tpu.memref_slice %arg4[%add3A_511, %dma_wait3A_519] : memref<819200x128xf32, #tpu.memory_space<hbm>> -> memref<64x128xf32, #tpu.memory_space<hbm>>
        %dma_wait3A_521 = arith.constant 0 : i32
        %dma_wait3A_522 = arith.constant 0 : i32
        %dma_wait3A_523 = tpu.memref_slice %arg7[%dma_wait3A_512, %dma_wait3A_521, %dma_wait3A_522] : memref<8x64x128xf32, #tpu.memory_space<vmem>> -> memref<1x64x128xf32, #tpu.memory_space<vmem>>
        %dma_wait3A_524 = tpu.memref_squeeze %dma_wait3A_523 : memref<1x64x128xf32, #tpu.memory_space<vmem>> -> memref<64x128xf32, #tpu.memory_space<vmem>>
        tpu.wait_dma2 semaphore(%arg23 : memref<!tpu.dma_semaphore, #tpu.memory_space<semaphore_mem>>) src(%dma_wait3A_524 : memref<64x128xf32, #tpu.memory_space<vmem>>) dst(%dma_wait3A_520 : memref<64x128xf32, #tpu.memory_space<hbm>>)
      } else {
      }
      %add3A_261 = arith.constant 7 : i32
      %add3A_262 = arith.addi %mul3A_131, %add3A_261 : i32
      %dma_start3A_263 = arith.constant 7 : i32
      %dma_start3A_264 = arith.constant 0 : i32
      %dma_start3A_265 = arith.constant 0 : i32
      %dma_start3A_266 = tpu.memref_slice %arg7[%dma_start3A_263, %dma_start3A_264, %dma_start3A_265] : memref<8x64x128xf32, #tpu.memory_space<vmem>> -> memref<1x64x128xf32, #tpu.memory_space<vmem>>
      %dma_start3A_267 = tpu.memref_squeeze %dma_start3A_266 : memref<1x64x128xf32, #tpu.memory_space<vmem>> -> memref<64x128xf32, #tpu.memory_space<vmem>>
      %dma_start3A_268 = arith.constant 0 : i32
      %dma_start3A_269 = tpu.memref_slice %arg5[%add3A_262, %dma_start3A_268] : memref<400x64xi32, #tpu.memory_space<vmem>> -> memref<1x64xi32, #tpu.memory_space<vmem>>
      %dma_start3A_270 = tpu.memref_squeeze %dma_start3A_269 : memref<1x64xi32, #tpu.memory_space<vmem>> -> memref<64xi32, #tpu.memory_space<vmem>>
      %dma_start3A_271 = arith.constant 0 : i32
      %dma_start3A_272 = arith.constant 0 : i32
      %dma_start3A_273 = tpu.memref_slice %arg6[%dma_start3A_271, %dma_start3A_272] : memref<24x128xf32, #tpu.memory_space<vmem_shared>> -> memref<24x128xf32, #tpu.memory_space<vmem_shared>>
      tpu.enqueue_indirect_dma source(%dma_start3A_273 : memref<24x128xf32, #tpu.memory_space<vmem_shared>>) target(%dma_start3A_267 : memref<64x128xf32, #tpu.memory_space<vmem>>) offsets(%dma_start3A_270 : memref<64xi32, #tpu.memory_space<vmem>>) semaphore(%arg15 : memref<!tpu.dma_semaphore, #tpu.memory_space<semaphore_mem>>)
      %dma_wait3A_274 = arith.constant 0 : i32
      %dma_wait3A_275 = arith.constant 0 : i32
      %dma_wait3A_276 = arith.constant 0 : i32
      %dma_wait3A_277 = tpu.memref_slice %arg7[%dma_wait3A_274, %dma_wait3A_275, %dma_wait3A_276] : memref<8x64x128xf32, #tpu.memory_space<vmem>> -> memref<1x64x128xf32, #tpu.memory_space<vmem>>
      %dma_wait3A_278 = tpu.memref_squeeze %dma_wait3A_277 : memref<1x64x128xf32, #tpu.memory_space<vmem>> -> memref<64x128xf32, #tpu.memory_space<vmem>>
      %dma_wait3A_279 = arith.constant 0 : i32
      %dma_wait3A_280 = tpu.memref_slice %arg5[%add3A_137, %dma_wait3A_279] : memref<400x64xi32, #tpu.memory_space<vmem>> -> memref<1x64xi32, #tpu.memory_space<vmem>>
      %dma_wait3A_281 = tpu.memref_squeeze %dma_wait3A_280 : memref<1x64xi32, #tpu.memory_space<vmem>> -> memref<64xi32, #tpu.memory_space<vmem>>
      %dma_wait3A_282 = arith.constant 0 : i32
      %dma_wait3A_283 = arith.constant 0 : i32
      %dma_wait3A_284 = tpu.memref_slice %arg6[%dma_wait3A_282, %dma_wait3A_283] : memref<24x128xf32, #tpu.memory_space<vmem_shared>> -> memref<24x128xf32, #tpu.memory_space<vmem_shared>>
      tpu.wait_indirect_dma semaphore(%arg8 : memref<!tpu.dma_semaphore, #tpu.memory_space<semaphore_mem>>) src(%dma_wait3A_284 : memref<24x128xf32, #tpu.memory_space<vmem_shared>>) dst(%dma_wait3A_278 : memref<64x128xf32, #tpu.memory_space<vmem>>)
      %add3A_285 = arith.constant 0 : i32
      %add3A_286 = arith.addi %mul3A_131, %add3A_285 : i32
      %mul3A_287 = arith.constant 64 : i32
      %mul3A_288 = arith.muli %add3A_286, %mul3A_287 : i32
      %add3A_289 = arith.addi %mul3A_2, %mul3A_288 : i32
      %dma_start3A_290 = arith.constant 0 : i32
      %dma_start3A_291 = arith.constant 0 : i32
      %dma_start3A_292 = arith.constant 0 : i32
      %dma_start3A_293 = tpu.memref_slice %arg7[%dma_start3A_290, %dma_start3A_291, %dma_start3A_292] : memref<8x64x128xf32, #tpu.memory_space<vmem>> -> memref<1x64x128xf32, #tpu.memory_space<vmem>>
      %dma_start3A_294 = tpu.memref_squeeze %dma_start3A_293 : memref<1x64x128xf32, #tpu.memory_space<vmem>> -> memref<64x128xf32, #tpu.memory_space<vmem>>
      %dma_start3A_295 = arith.constant 0 : i32
      %dma_start3A_296 = tpu.memref_slice %arg4[%add3A_289, %dma_start3A_295] : memref<819200x128xf32, #tpu.memory_space<hbm>> -> memref<64x128xf32, #tpu.memory_space<hbm>>
      %dma_start3A_297 = arith.constant 0 : i32
      %dma_start3A_298 = tpu.memref_slice %arg4[%add3A_289, %dma_start3A_297] : memref<819200x128xf32, #tpu.memory_space<hbm>> -> memref<64x128xf32, #tpu.memory_space<hbm>>
      %dma_start3A_299 = arith.constant 0 : i32
      %dma_start3A_300 = arith.constant 0 : i32
      %dma_start3A_301 = tpu.memref_slice %arg7[%dma_start3A_290, %dma_start3A_299, %dma_start3A_300] : memref<8x64x128xf32, #tpu.memory_space<vmem>> -> memref<1x64x128xf32, #tpu.memory_space<vmem>>
      %dma_start3A_302 = tpu.memref_squeeze %dma_start3A_301 : memref<1x64x128xf32, #tpu.memory_space<vmem>> -> memref<64x128xf32, #tpu.memory_space<vmem>>
      tpu.enqueue_dma source(%dma_start3A_302 : memref<64x128xf32, #tpu.memory_space<vmem>>) target(%dma_start3A_298 : memref<64x128xf32, #tpu.memory_space<hbm>>) target_semaphore(%arg16 : memref<!tpu.dma_semaphore, #tpu.memory_space<semaphore_mem>>)
      %dma_wait3A_303 = arith.constant 1 : i32
      %dma_wait3A_304 = arith.constant 0 : i32
      %dma_wait3A_305 = arith.constant 0 : i32
      %dma_wait3A_306 = tpu.memref_slice %arg7[%dma_wait3A_303, %dma_wait3A_304, %dma_wait3A_305] : memref<8x64x128xf32, #tpu.memory_space<vmem>> -> memref<1x64x128xf32, #tpu.memory_space<vmem>>
      %dma_wait3A_307 = tpu.memref_squeeze %dma_wait3A_306 : memref<1x64x128xf32, #tpu.memory_space<vmem>> -> memref<64x128xf32, #tpu.memory_space<vmem>>
      %dma_wait3A_308 = arith.constant 0 : i32
      %dma_wait3A_309 = tpu.memref_slice %arg5[%add3A_154, %dma_wait3A_308] : memref<400x64xi32, #tpu.memory_space<vmem>> -> memref<1x64xi32, #tpu.memory_space<vmem>>
      %dma_wait3A_310 = tpu.memref_squeeze %dma_wait3A_309 : memref<1x64xi32, #tpu.memory_space<vmem>> -> memref<64xi32, #tpu.memory_space<vmem>>
      %dma_wait3A_311 = arith.constant 0 : i32
      %dma_wait3A_312 = arith.constant 0 : i32
      %dma_wait3A_313 = tpu.memref_slice %arg6[%dma_wait3A_311, %dma_wait3A_312] : memref<24x128xf32, #tpu.memory_space<vmem_shared>> -> memref<24x128xf32, #tpu.memory_space<vmem_shared>>
      tpu.wait_indirect_dma semaphore(%arg9 : memref<!tpu.dma_semaphore, #tpu.memory_space<semaphore_mem>>) src(%dma_wait3A_313 : memref<24x128xf32, #tpu.memory_space<vmem_shared>>) dst(%dma_wait3A_307 : memref<64x128xf32, #tpu.memory_space<vmem>>)
      %add3A_314 = arith.constant 1 : i32
      %add3A_315 = arith.addi %mul3A_131, %add3A_314 : i32
      %mul3A_316 = arith.constant 64 : i32
      %mul3A_317 = arith.muli %add3A_315, %mul3A_316 : i32
      %add3A_318 = arith.addi %mul3A_2, %mul3A_317 : i32
      %dma_start3A_319 = arith.constant 1 : i32
      %dma_start3A_320 = arith.constant 0 : i32
      %dma_start3A_321 = arith.constant 0 : i32
      %dma_start3A_322 = tpu.memref_slice %arg7[%dma_start3A_319, %dma_start3A_320, %dma_start3A_321] : memref<8x64x128xf32, #tpu.memory_space<vmem>> -> memref<1x64x128xf32, #tpu.memory_space<vmem>>
      %dma_start3A_323 = tpu.memref_squeeze %dma_start3A_322 : memref<1x64x128xf32, #tpu.memory_space<vmem>> -> memref<64x128xf32, #tpu.memory_space<vmem>>
      %dma_start3A_324 = arith.constant 0 : i32
      %dma_start3A_325 = tpu.memref_slice %arg4[%add3A_318, %dma_start3A_324] : memref<819200x128xf32, #tpu.memory_space<hbm>> -> memref<64x128xf32, #tpu.memory_space<hbm>>
      %dma_start3A_326 = arith.constant 0 : i32
      %dma_start3A_327 = tpu.memref_slice %arg4[%add3A_318, %dma_start3A_326] : memref<819200x128xf32, #tpu.memory_space<hbm>> -> memref<64x128xf32, #tpu.memory_space<hbm>>
      %dma_start3A_328 = arith.constant 0 : i32
      %dma_start3A_329 = arith.constant 0 : i32
      %dma_start3A_330 = tpu.memref_slice %arg7[%dma_start3A_319, %dma_start3A_328, %dma_start3A_329] : memref<8x64x128xf32, #tpu.memory_space<vmem>> -> memref<1x64x128xf32, #tpu.memory_space<vmem>>
      %dma_start3A_331 = tpu.memref_squeeze %dma_start3A_330 : memref<1x64x128xf32, #tpu.memory_space<vmem>> -> memref<64x128xf32, #tpu.memory_space<vmem>>
      tpu.enqueue_dma source(%dma_start3A_331 : memref<64x128xf32, #tpu.memory_space<vmem>>) target(%dma_start3A_327 : memref<64x128xf32, #tpu.memory_space<hbm>>) target_semaphore(%arg17 : memref<!tpu.dma_semaphore, #tpu.memory_space<semaphore_mem>>)
      %dma_wait3A_332 = arith.constant 2 : i32
      %dma_wait3A_333 = arith.constant 0 : i32
      %dma_wait3A_334 = arith.constant 0 : i32
      %dma_wait3A_335 = tpu.memref_slice %arg7[%dma_wait3A_332, %dma_wait3A_333, %dma_wait3A_334] : memref<8x64x128xf32, #tpu.memory_space<vmem>> -> memref<1x64x128xf32, #tpu.memory_space<vmem>>
      %dma_wait3A_336 = tpu.memref_squeeze %dma_wait3A_335 : memref<1x64x128xf32, #tpu.memory_space<vmem>> -> memref<64x128xf32, #tpu.memory_space<vmem>>
      %dma_wait3A_337 = arith.constant 0 : i32
      %dma_wait3A_338 = tpu.memref_slice %arg5[%add3A_172, %dma_wait3A_337] : memref<400x64xi32, #tpu.memory_space<vmem>> -> memref<1x64xi32, #tpu.memory_space<vmem>>
      %dma_wait3A_339 = tpu.memref_squeeze %dma_wait3A_338 : memref<1x64xi32, #tpu.memory_space<vmem>> -> memref<64xi32, #tpu.memory_space<vmem>>
      %dma_wait3A_340 = arith.constant 0 : i32
      %dma_wait3A_341 = arith.constant 0 : i32
      %dma_wait3A_342 = tpu.memref_slice %arg6[%dma_wait3A_340, %dma_wait3A_341] : memref<24x128xf32, #tpu.memory_space<vmem_shared>> -> memref<24x128xf32, #tpu.memory_space<vmem_shared>>
      tpu.wait_indirect_dma semaphore(%arg10 : memref<!tpu.dma_semaphore, #tpu.memory_space<semaphore_mem>>) src(%dma_wait3A_342 : memref<24x128xf32, #tpu.memory_space<vmem_shared>>) dst(%dma_wait3A_336 : memref<64x128xf32, #tpu.memory_space<vmem>>)
      %add3A_343 = arith.constant 2 : i32
      %add3A_344 = arith.addi %mul3A_131, %add3A_343 : i32
      %mul3A_345 = arith.constant 64 : i32
      %mul3A_346 = arith.muli %add3A_344, %mul3A_345 : i32
      %add3A_347 = arith.addi %mul3A_2, %mul3A_346 : i32
      %dma_start3A_348 = arith.constant 2 : i32
      %dma_start3A_349 = arith.constant 0 : i32
      %dma_start3A_350 = arith.constant 0 : i32
      %dma_start3A_351 = tpu.memref_slice %arg7[%dma_start3A_348, %dma_start3A_349, %dma_start3A_350] : memref<8x64x128xf32, #tpu.memory_space<vmem>> -> memref<1x64x128xf32, #tpu.memory_space<vmem>>
      %dma_start3A_352 = tpu.memref_squeeze %dma_start3A_351 : memref<1x64x128xf32, #tpu.memory_space<vmem>> -> memref<64x128xf32, #tpu.memory_space<vmem>>
      %dma_start3A_353 = arith.constant 0 : i32
      %dma_start3A_354 = tpu.memref_slice %arg4[%add3A_347, %dma_start3A_353] : memref<819200x128xf32, #tpu.memory_space<hbm>> -> memref<64x128xf32, #tpu.memory_space<hbm>>
      %dma_start3A_355 = arith.constant 0 : i32
      %dma_start3A_356 = tpu.memref_slice %arg4[%add3A_347, %dma_start3A_355] : memref<819200x128xf32, #tpu.memory_space<hbm>> -> memref<64x128xf32, #tpu.memory_space<hbm>>
      %dma_start3A_357 = arith.constant 0 : i32
      %dma_start3A_358 = arith.constant 0 : i32
      %dma_start3A_359 = tpu.memref_slice %arg7[%dma_start3A_348, %dma_start3A_357, %dma_start3A_358] : memref<8x64x128xf32, #tpu.memory_space<vmem>> -> memref<1x64x128xf32, #tpu.memory_space<vmem>>
      %dma_start3A_360 = tpu.memref_squeeze %dma_start3A_359 : memref<1x64x128xf32, #tpu.memory_space<vmem>> -> memref<64x128xf32, #tpu.memory_space<vmem>>
      tpu.enqueue_dma source(%dma_start3A_360 : memref<64x128xf32, #tpu.memory_space<vmem>>) target(%dma_start3A_356 : memref<64x128xf32, #tpu.memory_space<hbm>>) target_semaphore(%arg18 : memref<!tpu.dma_semaphore, #tpu.memory_space<semaphore_mem>>)
      %dma_wait3A_361 = arith.constant 3 : i32
      %dma_wait3A_362 = arith.constant 0 : i32
      %dma_wait3A_363 = arith.constant 0 : i32
      %dma_wait3A_364 = tpu.memref_slice %arg7[%dma_wait3A_361, %dma_wait3A_362, %dma_wait3A_363] : memref<8x64x128xf32, #tpu.memory_space<vmem>> -> memref<1x64x128xf32, #tpu.memory_space<vmem>>
      %dma_wait3A_365 = tpu.memref_squeeze %dma_wait3A_364 : memref<1x64x128xf32, #tpu.memory_space<vmem>> -> memref<64x128xf32, #tpu.memory_space<vmem>>
      %dma_wait3A_366 = arith.constant 0 : i32
      %dma_wait3A_367 = tpu.memref_slice %arg5[%add3A_190, %dma_wait3A_366] : memref<400x64xi32, #tpu.memory_space<vmem>> -> memref<1x64xi32, #tpu.memory_space<vmem>>
      %dma_wait3A_368 = tpu.memref_squeeze %dma_wait3A_367 : memref<1x64xi32, #tpu.memory_space<vmem>> -> memref<64xi32, #tpu.memory_space<vmem>>
      %dma_wait3A_369 = arith.constant 0 : i32
      %dma_wait3A_370 = arith.constant 0 : i32
      %dma_wait3A_371 = tpu.memref_slice %arg6[%dma_wait3A_369, %dma_wait3A_370] : memref<24x128xf32, #tpu.memory_space<vmem_shared>> -> memref<24x128xf32, #tpu.memory_space<vmem_shared>>
      tpu.wait_indirect_dma semaphore(%arg11 : memref<!tpu.dma_semaphore, #tpu.memory_space<semaphore_mem>>) src(%dma_wait3A_371 : memref<24x128xf32, #tpu.memory_space<vmem_shared>>) dst(%dma_wait3A_365 : memref<64x128xf32, #tpu.memory_space<vmem>>)
      %add3A_372 = arith.constant 3 : i32
      %add3A_373 = arith.addi %mul3A_131, %add3A_372 : i32
      %mul3A_374 = arith.constant 64 : i32
      %mul3A_375 = arith.muli %add3A_373, %mul3A_374 : i32
      %add3A_376 = arith.addi %mul3A_2, %mul3A_375 : i32
      %dma_start3A_377 = arith.constant 3 : i32
      %dma_start3A_378 = arith.constant 0 : i32
      %dma_start3A_379 = arith.constant 0 : i32
      %dma_start3A_380 = tpu.memref_slice %arg7[%dma_start3A_377, %dma_start3A_378, %dma_start3A_379] : memref<8x64x128xf32, #tpu.memory_space<vmem>> -> memref<1x64x128xf32, #tpu.memory_space<vmem>>
      %dma_start3A_381 = tpu.memref_squeeze %dma_start3A_380 : memref<1x64x128xf32, #tpu.memory_space<vmem>> -> memref<64x128xf32, #tpu.memory_space<vmem>>
      %dma_start3A_382 = arith.constant 0 : i32
      %dma_start3A_383 = tpu.memref_slice %arg4[%add3A_376, %dma_start3A_382] : memref<819200x128xf32, #tpu.memory_space<hbm>> -> memref<64x128xf32, #tpu.memory_space<hbm>>
      %dma_start3A_384 = arith.constant 0 : i32
      %dma_start3A_385 = tpu.memref_slice %arg4[%add3A_376, %dma_start3A_384] : memref<819200x128xf32, #tpu.memory_space<hbm>> -> memref<64x128xf32, #tpu.memory_space<hbm>>
      %dma_start3A_386 = arith.constant 0 : i32
      %dma_start3A_387 = arith.constant 0 : i32
      %dma_start3A_388 = tpu.memref_slice %arg7[%dma_start3A_377, %dma_start3A_386, %dma_start3A_387] : memref<8x64x128xf32, #tpu.memory_space<vmem>> -> memref<1x64x128xf32, #tpu.memory_space<vmem>>
      %dma_start3A_389 = tpu.memref_squeeze %dma_start3A_388 : memref<1x64x128xf32, #tpu.memory_space<vmem>> -> memref<64x128xf32, #tpu.memory_space<vmem>>
      tpu.enqueue_dma source(%dma_start3A_389 : memref<64x128xf32, #tpu.memory_space<vmem>>) target(%dma_start3A_385 : memref<64x128xf32, #tpu.memory_space<hbm>>) target_semaphore(%arg19 : memref<!tpu.dma_semaphore, #tpu.memory_space<semaphore_mem>>)
      %dma_wait3A_390 = arith.constant 4 : i32
      %dma_wait3A_391 = arith.constant 0 : i32
      %dma_wait3A_392 = arith.constant 0 : i32
      %dma_wait3A_393 = tpu.memref_slice %arg7[%dma_wait3A_390, %dma_wait3A_391, %dma_wait3A_392] : memref<8x64x128xf32, #tpu.memory_space<vmem>> -> memref<1x64x128xf32, #tpu.memory_space<vmem>>
      %dma_wait3A_394 = tpu.memref_squeeze %dma_wait3A_393 : memref<1x64x128xf32, #tpu.memory_space<vmem>> -> memref<64x128xf32, #tpu.memory_space<vmem>>
      %dma_wait3A_395 = arith.constant 0 : i32
      %dma_wait3A_396 = tpu.memref_slice %arg5[%add3A_208, %dma_wait3A_395] : memref<400x64xi32, #tpu.memory_space<vmem>> -> memref<1x64xi32, #tpu.memory_space<vmem>>
      %dma_wait3A_397 = tpu.memref_squeeze %dma_wait3A_396 : memref<1x64xi32, #tpu.memory_space<vmem>> -> memref<64xi32, #tpu.memory_space<vmem>>
      %dma_wait3A_398 = arith.constant 0 : i32
      %dma_wait3A_399 = arith.constant 0 : i32
      %dma_wait3A_400 = tpu.memref_slice %arg6[%dma_wait3A_398, %dma_wait3A_399] : memref<24x128xf32, #tpu.memory_space<vmem_shared>> -> memref<24x128xf32, #tpu.memory_space<vmem_shared>>
      tpu.wait_indirect_dma semaphore(%arg12 : memref<!tpu.dma_semaphore, #tpu.memory_space<semaphore_mem>>) src(%dma_wait3A_400 : memref<24x128xf32, #tpu.memory_space<vmem_shared>>) dst(%dma_wait3A_394 : memref<64x128xf32, #tpu.memory_space<vmem>>)
      %add3A_401 = arith.constant 4 : i32
      %add3A_402 = arith.addi %mul3A_131, %add3A_401 : i32
      %mul3A_403 = arith.constant 64 : i32
      %mul3A_404 = arith.muli %add3A_402, %mul3A_403 : i32
      %add3A_405 = arith.addi %mul3A_2, %mul3A_404 : i32
      %dma_start3A_406 = arith.constant 4 : i32
      %dma_start3A_407 = arith.constant 0 : i32
      %dma_start3A_408 = arith.constant 0 : i32
      %dma_start3A_409 = tpu.memref_slice %arg7[%dma_start3A_406, %dma_start3A_407, %dma_start3A_408] : memref<8x64x128xf32, #tpu.memory_space<vmem>> -> memref<1x64x128xf32, #tpu.memory_space<vmem>>
      %dma_start3A_410 = tpu.memref_squeeze %dma_start3A_409 : memref<1x64x128xf32, #tpu.memory_space<vmem>> -> memref<64x128xf32, #tpu.memory_space<vmem>>
      %dma_start3A_411 = arith.constant 0 : i32
      %dma_start3A_412 = tpu.memref_slice %arg4[%add3A_405, %dma_start3A_411] : memref<819200x128xf32, #tpu.memory_space<hbm>> -> memref<64x128xf32, #tpu.memory_space<hbm>>
      %dma_start3A_413 = arith.constant 0 : i32
      %dma_start3A_414 = tpu.memref_slice %arg4[%add3A_405, %dma_start3A_413] : memref<819200x128xf32, #tpu.memory_space<hbm>> -> memref<64x128xf32, #tpu.memory_space<hbm>>
      %dma_start3A_415 = arith.constant 0 : i32
      %dma_start3A_416 = arith.constant 0 : i32
      %dma_start3A_417 = tpu.memref_slice %arg7[%dma_start3A_406, %dma_start3A_415, %dma_start3A_416] : memref<8x64x128xf32, #tpu.memory_space<vmem>> -> memref<1x64x128xf32, #tpu.memory_space<vmem>>
      %dma_start3A_418 = tpu.memref_squeeze %dma_start3A_417 : memref<1x64x128xf32, #tpu.memory_space<vmem>> -> memref<64x128xf32, #tpu.memory_space<vmem>>
      tpu.enqueue_dma source(%dma_start3A_418 : memref<64x128xf32, #tpu.memory_space<vmem>>) target(%dma_start3A_414 : memref<64x128xf32, #tpu.memory_space<hbm>>) target_semaphore(%arg20 : memref<!tpu.dma_semaphore, #tpu.memory_space<semaphore_mem>>)
      %dma_wait3A_419 = arith.constant 5 : i32
      %dma_wait3A_420 = arith.constant 0 : i32
      %dma_wait3A_421 = arith.constant 0 : i32
      %dma_wait3A_422 = tpu.memref_slice %arg7[%dma_wait3A_419, %dma_wait3A_420, %dma_wait3A_421] : memref<8x64x128xf32, #tpu.memory_space<vmem>> -> memref<1x64x128xf32, #tpu.memory_space<vmem>>
      %dma_wait3A_423 = tpu.memref_squeeze %dma_wait3A_422 : memref<1x64x128xf32, #tpu.memory_space<vmem>> -> memref<64x128xf32, #tpu.memory_space<vmem>>
      %dma_wait3A_424 = arith.constant 0 : i32
      %dma_wait3A_425 = tpu.memref_slice %arg5[%add3A_226, %dma_wait3A_424] : memref<400x64xi32, #tpu.memory_space<vmem>> -> memref<1x64xi32, #tpu.memory_space<vmem>>
      %dma_wait3A_426 = tpu.memref_squeeze %dma_wait3A_425 : memref<1x64xi32, #tpu.memory_space<vmem>> -> memref<64xi32, #tpu.memory_space<vmem>>
      %dma_wait3A_427 = arith.constant 0 : i32
      %dma_wait3A_428 = arith.constant 0 : i32
      %dma_wait3A_429 = tpu.memref_slice %arg6[%dma_wait3A_427, %dma_wait3A_428] : memref<24x128xf32, #tpu.memory_space<vmem_shared>> -> memref<24x128xf32, #tpu.memory_space<vmem_shared>>
      tpu.wait_indirect_dma semaphore(%arg13 : memref<!tpu.dma_semaphore, #tpu.memory_space<semaphore_mem>>) src(%dma_wait3A_429 : memref<24x128xf32, #tpu.memory_space<vmem_shared>>) dst(%dma_wait3A_423 : memref<64x128xf32, #tpu.memory_space<vmem>>)
      %add3A_430 = arith.constant 5 : i32
      %add3A_431 = arith.addi %mul3A_131, %add3A_430 : i32
      %mul3A_432 = arith.constant 64 : i32
      %mul3A_433 = arith.muli %add3A_431, %mul3A_432 : i32
      %add3A_434 = arith.addi %mul3A_2, %mul3A_433 : i32
      %dma_start3A_435 = arith.constant 5 : i32
      %dma_start3A_436 = arith.constant 0 : i32
      %dma_start3A_437 = arith.constant 0 : i32
      %dma_start3A_438 = tpu.memref_slice %arg7[%dma_start3A_435, %dma_start3A_436, %dma_start3A_437] : memref<8x64x128xf32, #tpu.memory_space<vmem>> -> memref<1x64x128xf32, #tpu.memory_space<vmem>>
      %dma_start3A_439 = tpu.memref_squeeze %dma_start3A_438 : memref<1x64x128xf32, #tpu.memory_space<vmem>> -> memref<64x128xf32, #tpu.memory_space<vmem>>
      %dma_start3A_440 = arith.constant 0 : i32
      %dma_start3A_441 = tpu.memref_slice %arg4[%add3A_434, %dma_start3A_440] : memref<819200x128xf32, #tpu.memory_space<hbm>> -> memref<64x128xf32, #tpu.memory_space<hbm>>
      %dma_start3A_442 = arith.constant 0 : i32
      %dma_start3A_443 = tpu.memref_slice %arg4[%add3A_434, %dma_start3A_442] : memref<819200x128xf32, #tpu.memory_space<hbm>> -> memref<64x128xf32, #tpu.memory_space<hbm>>
      %dma_start3A_444 = arith.constant 0 : i32
      %dma_start3A_445 = arith.constant 0 : i32
      %dma_start3A_446 = tpu.memref_slice %arg7[%dma_start3A_435, %dma_start3A_444, %dma_start3A_445] : memref<8x64x128xf32, #tpu.memory_space<vmem>> -> memref<1x64x128xf32, #tpu.memory_space<vmem>>
      %dma_start3A_447 = tpu.memref_squeeze %dma_start3A_446 : memref<1x64x128xf32, #tpu.memory_space<vmem>> -> memref<64x128xf32, #tpu.memory_space<vmem>>
      tpu.enqueue_dma source(%dma_start3A_447 : memref<64x128xf32, #tpu.memory_space<vmem>>) target(%dma_start3A_443 : memref<64x128xf32, #tpu.memory_space<hbm>>) target_semaphore(%arg21 : memref<!tpu.dma_semaphore, #tpu.memory_space<semaphore_mem>>)
      %dma_wait3A_448 = arith.constant 6 : i32
      %dma_wait3A_449 = arith.constant 0 : i32
      %dma_wait3A_450 = arith.constant 0 : i32
      %dma_wait3A_451 = tpu.memref_slice %arg7[%dma_wait3A_448, %dma_wait3A_449, %dma_wait3A_450] : memref<8x64x128xf32, #tpu.memory_space<vmem>> -> memref<1x64x128xf32, #tpu.memory_space<vmem>>
      %dma_wait3A_452 = tpu.memref_squeeze %dma_wait3A_451 : memref<1x64x128xf32, #tpu.memory_space<vmem>> -> memref<64x128xf32, #tpu.memory_space<vmem>>
      %dma_wait3A_453 = arith.constant 0 : i32
      %dma_wait3A_454 = tpu.memref_slice %arg5[%add3A_244, %dma_wait3A_453] : memref<400x64xi32, #tpu.memory_space<vmem>> -> memref<1x64xi32, #tpu.memory_space<vmem>>
      %dma_wait3A_455 = tpu.memref_squeeze %dma_wait3A_454 : memref<1x64xi32, #tpu.memory_space<vmem>> -> memref<64xi32, #tpu.memory_space<vmem>>
      %dma_wait3A_456 = arith.constant 0 : i32
      %dma_wait3A_457 = arith.constant 0 : i32
      %dma_wait3A_458 = tpu.memref_slice %arg6[%dma_wait3A_456, %dma_wait3A_457] : memref<24x128xf32, #tpu.memory_space<vmem_shared>> -> memref<24x128xf32, #tpu.memory_space<vmem_shared>>
      tpu.wait_indirect_dma semaphore(%arg14 : memref<!tpu.dma_semaphore, #tpu.memory_space<semaphore_mem>>) src(%dma_wait3A_458 : memref<24x128xf32, #tpu.memory_space<vmem_shared>>) dst(%dma_wait3A_452 : memref<64x128xf32, #tpu.memory_space<vmem>>)
      %add3A_459 = arith.constant 6 : i32
      %add3A_460 = arith.addi %mul3A_131, %add3A_459 : i32
      %mul3A_461 = arith.constant 64 : i32
      %mul3A_462 = arith.muli %add3A_460, %mul3A_461 : i32
      %add3A_463 = arith.addi %mul3A_2, %mul3A_462 : i32
      %dma_start3A_464 = arith.constant 6 : i32
      %dma_start3A_465 = arith.constant 0 : i32
      %dma_start3A_466 = arith.constant 0 : i32
      %dma_start3A_467 = tpu.memref_slice %arg7[%dma_start3A_464, %dma_start3A_465, %dma_start3A_466] : memref<8x64x128xf32, #tpu.memory_space<vmem>> -> memref<1x64x128xf32, #tpu.memory_space<vmem>>
      %dma_start3A_468 = tpu.memref_squeeze %dma_start3A_467 : memref<1x64x128xf32, #tpu.memory_space<vmem>> -> memref<64x128xf32, #tpu.memory_space<vmem>>
      %dma_start3A_469 = arith.constant 0 : i32
      %dma_start3A_470 = tpu.memref_slice %arg4[%add3A_463, %dma_start3A_469] : memref<819200x128xf32, #tpu.memory_space<hbm>> -> memref<64x128xf32, #tpu.memory_space<hbm>>
      %dma_start3A_471 = arith.constant 0 : i32
      %dma_start3A_472 = tpu.memref_slice %arg4[%add3A_463, %dma_start3A_471] : memref<819200x128xf32, #tpu.memory_space<hbm>> -> memref<64x128xf32, #tpu.memory_space<hbm>>
      %dma_start3A_473 = arith.constant 0 : i32
      %dma_start3A_474 = arith.constant 0 : i32
      %dma_start3A_475 = tpu.memref_slice %arg7[%dma_start3A_464, %dma_start3A_473, %dma_start3A_474] : memref<8x64x128xf32, #tpu.memory_space<vmem>> -> memref<1x64x128xf32, #tpu.memory_space<vmem>>
      %dma_start3A_476 = tpu.memref_squeeze %dma_start3A_475 : memref<1x64x128xf32, #tpu.memory_space<vmem>> -> memref<64x128xf32, #tpu.memory_space<vmem>>
      tpu.enqueue_dma source(%dma_start3A_476 : memref<64x128xf32, #tpu.memory_space<vmem>>) target(%dma_start3A_472 : memref<64x128xf32, #tpu.memory_space<hbm>>) target_semaphore(%arg22 : memref<!tpu.dma_semaphore, #tpu.memory_space<semaphore_mem>>)
      %dma_wait3A_477 = arith.constant 7 : i32
      %dma_wait3A_478 = arith.constant 0 : i32
      %dma_wait3A_479 = arith.constant 0 : i32
      %dma_wait3A_480 = tpu.memref_slice %arg7[%dma_wait3A_477, %dma_wait3A_478, %dma_wait3A_479] : memref<8x64x128xf32, #tpu.memory_space<vmem>> -> memref<1x64x128xf32, #tpu.memory_space<vmem>>
      %dma_wait3A_481 = tpu.memref_squeeze %dma_wait3A_480 : memref<1x64x128xf32, #tpu.memory_space<vmem>> -> memref<64x128xf32, #tpu.memory_space<vmem>>
      %dma_wait3A_482 = arith.constant 0 : i32
      %dma_wait3A_483 = tpu.memref_slice %arg5[%add3A_262, %dma_wait3A_482] : memref<400x64xi32, #tpu.memory_space<vmem>> -> memref<1x64xi32, #tpu.memory_space<vmem>>
      %dma_wait3A_484 = tpu.memref_squeeze %dma_wait3A_483 : memref<1x64xi32, #tpu.memory_space<vmem>> -> memref<64xi32, #tpu.memory_space<vmem>>
      %dma_wait3A_485 = arith.constant 0 : i32
      %dma_wait3A_486 = arith.constant 0 : i32
      %dma_wait3A_487 = tpu.memref_slice %arg6[%dma_wait3A_485, %dma_wait3A_486] : memref<24x128xf32, #tpu.memory_space<vmem_shared>> -> memref<24x128xf32, #tpu.memory_space<vmem_shared>>
      tpu.wait_indirect_dma semaphore(%arg15 : memref<!tpu.dma_semaphore, #tpu.memory_space<semaphore_mem>>) src(%dma_wait3A_487 : memref<24x128xf32, #tpu.memory_space<vmem_shared>>) dst(%dma_wait3A_481 : memref<64x128xf32, #tpu.memory_space<vmem>>)
      %add3A_488 = arith.constant 7 : i32
      %add3A_489 = arith.addi %mul3A_131, %add3A_488 : i32
      %mul3A_490 = arith.constant 64 : i32
      %mul3A_491 = arith.muli %add3A_489, %mul3A_490 : i32
      %add3A_492 = arith.addi %mul3A_2, %mul3A_491 : i32
      %dma_start3A_493 = arith.constant 7 : i32
      %dma_start3A_494 = arith.constant 0 : i32
      %dma_start3A_495 = arith.constant 0 : i32
      %dma_start3A_496 = tpu.memref_slice %arg7[%dma_start3A_493, %dma_start3A_494, %dma_start3A_495] : memref<8x64x128xf32, #tpu.memory_space<vmem>> -> memref<1x64x128xf32, #tpu.memory_space<vmem>>
      %dma_start3A_497 = tpu.memref_squeeze %dma_start3A_496 : memref<1x64x128xf32, #tpu.memory_space<vmem>> -> memref<64x128xf32, #tpu.memory_space<vmem>>
      %dma_start3A_498 = arith.constant 0 : i32
      %dma_start3A_499 = tpu.memref_slice %arg4[%add3A_492, %dma_start3A_498] : memref<819200x128xf32, #tpu.memory_space<hbm>> -> memref<64x128xf32, #tpu.memory_space<hbm>>
      %dma_start3A_500 = arith.constant 0 : i32
      %dma_start3A_501 = tpu.memref_slice %arg4[%add3A_492, %dma_start3A_500] : memref<819200x128xf32, #tpu.memory_space<hbm>> -> memref<64x128xf32, #tpu.memory_space<hbm>>
      %dma_start3A_502 = arith.constant 0 : i32
      %dma_start3A_503 = arith.constant 0 : i32
      %dma_start3A_504 = tpu.memref_slice %arg7[%dma_start3A_493, %dma_start3A_502, %dma_start3A_503] : memref<8x64x128xf32, #tpu.memory_space<vmem>> -> memref<1x64x128xf32, #tpu.memory_space<vmem>>
      %dma_start3A_505 = tpu.memref_squeeze %dma_start3A_504 : memref<1x64x128xf32, #tpu.memory_space<vmem>> -> memref<64x128xf32, #tpu.memory_space<vmem>>
      tpu.enqueue_dma source(%dma_start3A_505 : memref<64x128xf32, #tpu.memory_space<vmem>>) target(%dma_start3A_501 : memref<64x128xf32, #tpu.memory_space<hbm>>) target_semaphore(%arg23 : memref<!tpu.dma_semaphore, #tpu.memory_space<semaphore_mem>>)
    }
    %scan3A_9 = arith.constant 50 : i32
    %add3A_10 = arith.constant 0 : i32
    %add3A_11 = arith.addi %mul3A_2, %add3A_10 : i32
    %dma_wait3A = arith.constant 0 : i32
    %dma_wait3A_12 = arith.constant 0 : i32
    %dma_wait3A_13 = arith.constant 0 : i32
    %dma_wait3A_14 = tpu.memref_slice %arg7[%dma_wait3A, %dma_wait3A_12, %dma_wait3A_13] : memref<8x64x128xf32, #tpu.memory_space<vmem>> -> memref<1x64x128xf32, #tpu.memory_space<vmem>>
    %dma_wait3A_15 = tpu.memref_squeeze %dma_wait3A_14 : memref<1x64x128xf32, #tpu.memory_space<vmem>> -> memref<64x128xf32, #tpu.memory_space<vmem>>
    %dma_wait3A_16 = arith.constant 0 : i32
    %dma_wait3A_17 = tpu.memref_slice %arg4[%add3A_11, %dma_wait3A_16] : memref<819200x128xf32, #tpu.memory_space<hbm>> -> memref<64x128xf32, #tpu.memory_space<hbm>>
    %dma_wait3A_18 = arith.constant 0 : i32
    %dma_wait3A_19 = tpu.memref_slice %arg4[%add3A_11, %dma_wait3A_18] : memref<819200x128xf32, #tpu.memory_space<hbm>> -> memref<64x128xf32, #tpu.memory_space<hbm>>
    %dma_wait3A_20 = arith.constant 0 : i32
    %dma_wait3A_21 = arith.constant 0 : i32
    %dma_wait3A_22 = tpu.memref_slice %arg7[%dma_wait3A, %dma_wait3A_20, %dma_wait3A_21] : memref<8x64x128xf32, #tpu.memory_space<vmem>> -> memref<1x64x128xf32, #tpu.memory_space<vmem>>
    %dma_wait3A_23 = tpu.memref_squeeze %dma_wait3A_22 : memref<1x64x128xf32, #tpu.memory_space<vmem>> -> memref<64x128xf32, #tpu.memory_space<vmem>>
    tpu.wait_dma2 semaphore(%arg16 : memref<!tpu.dma_semaphore, #tpu.memory_space<semaphore_mem>>) src(%dma_wait3A_23 : memref<64x128xf32, #tpu.memory_space<vmem>>) dst(%dma_wait3A_19 : memref<64x128xf32, #tpu.memory_space<hbm>>)
    %add3A_24 = arith.constant 64 : i32
    %add3A_25 = arith.addi %mul3A_2, %add3A_24 : i32
    %dma_wait3A_26 = arith.constant 1 : i32
    %dma_wait3A_27 = arith.constant 0 : i32
    %dma_wait3A_28 = arith.constant 0 : i32
    %dma_wait3A_29 = tpu.memref_slice %arg7[%dma_wait3A_26, %dma_wait3A_27, %dma_wait3A_28] : memref<8x64x128xf32, #tpu.memory_space<vmem>> -> memref<1x64x128xf32, #tpu.memory_space<vmem>>
    %dma_wait3A_30 = tpu.memref_squeeze %dma_wait3A_29 : memref<1x64x128xf32, #tpu.memory_space<vmem>> -> memref<64x128xf32, #tpu.memory_space<vmem>>
    %dma_wait3A_31 = arith.constant 0 : i32
    %dma_wait3A_32 = tpu.memref_slice %arg4[%add3A_25, %dma_wait3A_31] : memref<819200x128xf32, #tpu.memory_space<hbm>> -> memref<64x128xf32, #tpu.memory_space<hbm>>
    %dma_wait3A_33 = arith.constant 0 : i32
    %dma_wait3A_34 = tpu.memref_slice %arg4[%add3A_25, %dma_wait3A_33] : memref<819200x128xf32, #tpu.memory_space<hbm>> -> memref<64x128xf32, #tpu.memory_space<hbm>>
    %dma_wait3A_35 = arith.constant 0 : i32
    %dma_wait3A_36 = arith.constant 0 : i32
    %dma_wait3A_37 = tpu.memref_slice %arg7[%dma_wait3A_26, %dma_wait3A_35, %dma_wait3A_36] : memref<8x64x128xf32, #tpu.memory_space<vmem>> -> memref<1x64x128xf32, #tpu.memory_space<vmem>>
    %dma_wait3A_38 = tpu.memref_squeeze %dma_wait3A_37 : memref<1x64x128xf32, #tpu.memory_space<vmem>> -> memref<64x128xf32, #tpu.memory_space<vmem>>
    tpu.wait_dma2 semaphore(%arg17 : memref<!tpu.dma_semaphore, #tpu.memory_space<semaphore_mem>>) src(%dma_wait3A_38 : memref<64x128xf32, #tpu.memory_space<vmem>>) dst(%dma_wait3A_34 : memref<64x128xf32, #tpu.memory_space<hbm>>)
    %add3A_39 = arith.constant 128 : i32
    %add3A_40 = arith.addi %mul3A_2, %add3A_39 : i32
    %dma_wait3A_41 = arith.constant 2 : i32
    %dma_wait3A_42 = arith.constant 0 : i32
    %dma_wait3A_43 = arith.constant 0 : i32
    %dma_wait3A_44 = tpu.memref_slice %arg7[%dma_wait3A_41, %dma_wait3A_42, %dma_wait3A_43] : memref<8x64x128xf32, #tpu.memory_space<vmem>> -> memref<1x64x128xf32, #tpu.memory_space<vmem>>
    %dma_wait3A_45 = tpu.memref_squeeze %dma_wait3A_44 : memref<1x64x128xf32, #tpu.memory_space<vmem>> -> memref<64x128xf32, #tpu.memory_space<vmem>>
    %dma_wait3A_46 = arith.constant 0 : i32
    %dma_wait3A_47 = tpu.memref_slice %arg4[%add3A_40, %dma_wait3A_46] : memref<819200x128xf32, #tpu.memory_space<hbm>> -> memref<64x128xf32, #tpu.memory_space<hbm>>
    %dma_wait3A_48 = arith.constant 0 : i32
    %dma_wait3A_49 = tpu.memref_slice %arg4[%add3A_40, %dma_wait3A_48] : memref<819200x128xf32, #tpu.memory_space<hbm>> -> memref<64x128xf32, #tpu.memory_space<hbm>>
    %dma_wait3A_50 = arith.constant 0 : i32
    %dma_wait3A_51 = arith.constant 0 : i32
    %dma_wait3A_52 = tpu.memref_slice %arg7[%dma_wait3A_41, %dma_wait3A_50, %dma_wait3A_51] : memref<8x64x128xf32, #tpu.memory_space<vmem>> -> memref<1x64x128xf32, #tpu.memory_space<vmem>>
    %dma_wait3A_53 = tpu.memref_squeeze %dma_wait3A_52 : memref<1x64x128xf32, #tpu.memory_space<vmem>> -> memref<64x128xf32, #tpu.memory_space<vmem>>
    tpu.wait_dma2 semaphore(%arg18 : memref<!tpu.dma_semaphore, #tpu.memory_space<semaphore_mem>>) src(%dma_wait3A_53 : memref<64x128xf32, #tpu.memory_space<vmem>>) dst(%dma_wait3A_49 : memref<64x128xf32, #tpu.memory_space<hbm>>)
    %add3A_54 = arith.constant 192 : i32
    %add3A_55 = arith.addi %mul3A_2, %add3A_54 : i32
    %dma_wait3A_56 = arith.constant 3 : i32
    %dma_wait3A_57 = arith.constant 0 : i32
    %dma_wait3A_58 = arith.constant 0 : i32
    %dma_wait3A_59 = tpu.memref_slice %arg7[%dma_wait3A_56, %dma_wait3A_57, %dma_wait3A_58] : memref<8x64x128xf32, #tpu.memory_space<vmem>> -> memref<1x64x128xf32, #tpu.memory_space<vmem>>
    %dma_wait3A_60 = tpu.memref_squeeze %dma_wait3A_59 : memref<1x64x128xf32, #tpu.memory_space<vmem>> -> memref<64x128xf32, #tpu.memory_space<vmem>>
    %dma_wait3A_61 = arith.constant 0 : i32
    %dma_wait3A_62 = tpu.memref_slice %arg4[%add3A_55, %dma_wait3A_61] : memref<819200x128xf32, #tpu.memory_space<hbm>> -> memref<64x128xf32, #tpu.memory_space<hbm>>
    %dma_wait3A_63 = arith.constant 0 : i32
    %dma_wait3A_64 = tpu.memref_slice %arg4[%add3A_55, %dma_wait3A_63] : memref<819200x128xf32, #tpu.memory_space<hbm>> -> memref<64x128xf32, #tpu.memory_space<hbm>>
    %dma_wait3A_65 = arith.constant 0 : i32
    %dma_wait3A_66 = arith.constant 0 : i32
    %dma_wait3A_67 = tpu.memref_slice %arg7[%dma_wait3A_56, %dma_wait3A_65, %dma_wait3A_66] : memref<8x64x128xf32, #tpu.memory_space<vmem>> -> memref<1x64x128xf32, #tpu.memory_space<vmem>>
    %dma_wait3A_68 = tpu.memref_squeeze %dma_wait3A_67 : memref<1x64x128xf32, #tpu.memory_space<vmem>> -> memref<64x128xf32, #tpu.memory_space<vmem>>
    tpu.wait_dma2 semaphore(%arg19 : memref<!tpu.dma_semaphore, #tpu.memory_space<semaphore_mem>>) src(%dma_wait3A_68 : memref<64x128xf32, #tpu.memory_space<vmem>>) dst(%dma_wait3A_64 : memref<64x128xf32, #tpu.memory_space<hbm>>)
    %add3A_69 = arith.constant 256 : i32
    %add3A_70 = arith.addi %mul3A_2, %add3A_69 : i32
    %dma_wait3A_71 = arith.constant 4 : i32
    %dma_wait3A_72 = arith.constant 0 : i32
    %dma_wait3A_73 = arith.constant 0 : i32
    %dma_wait3A_74 = tpu.memref_slice %arg7[%dma_wait3A_71, %dma_wait3A_72, %dma_wait3A_73] : memref<8x64x128xf32, #tpu.memory_space<vmem>> -> memref<1x64x128xf32, #tpu.memory_space<vmem>>
    %dma_wait3A_75 = tpu.memref_squeeze %dma_wait3A_74 : memref<1x64x128xf32, #tpu.memory_space<vmem>> -> memref<64x128xf32, #tpu.memory_space<vmem>>
    %dma_wait3A_76 = arith.constant 0 : i32
    %dma_wait3A_77 = tpu.memref_slice %arg4[%add3A_70, %dma_wait3A_76] : memref<819200x128xf32, #tpu.memory_space<hbm>> -> memref<64x128xf32, #tpu.memory_space<hbm>>
    %dma_wait3A_78 = arith.constant 0 : i32
    %dma_wait3A_79 = tpu.memref_slice %arg4[%add3A_70, %dma_wait3A_78] : memref<819200x128xf32, #tpu.memory_space<hbm>> -> memref<64x128xf32, #tpu.memory_space<hbm>>
    %dma_wait3A_80 = arith.constant 0 : i32
    %dma_wait3A_81 = arith.constant 0 : i32
    %dma_wait3A_82 = tpu.memref_slice %arg7[%dma_wait3A_71, %dma_wait3A_80, %dma_wait3A_81] : memref<8x64x128xf32, #tpu.memory_space<vmem>> -> memref<1x64x128xf32, #tpu.memory_space<vmem>>
    %dma_wait3A_83 = tpu.memref_squeeze %dma_wait3A_82 : memref<1x64x128xf32, #tpu.memory_space<vmem>> -> memref<64x128xf32, #tpu.memory_space<vmem>>
    tpu.wait_dma2 semaphore(%arg20 : memref<!tpu.dma_semaphore, #tpu.memory_space<semaphore_mem>>) src(%dma_wait3A_83 : memref<64x128xf32, #tpu.memory_space<vmem>>) dst(%dma_wait3A_79 : memref<64x128xf32, #tpu.memory_space<hbm>>)
    %add3A_84 = arith.constant 320 : i32
    %add3A_85 = arith.addi %mul3A_2, %add3A_84 : i32
    %dma_wait3A_86 = arith.constant 5 : i32
    %dma_wait3A_87 = arith.constant 0 : i32
    %dma_wait3A_88 = arith.constant 0 : i32
    %dma_wait3A_89 = tpu.memref_slice %arg7[%dma_wait3A_86, %dma_wait3A_87, %dma_wait3A_88] : memref<8x64x128xf32, #tpu.memory_space<vmem>> -> memref<1x64x128xf32, #tpu.memory_space<vmem>>
    %dma_wait3A_90 = tpu.memref_squeeze %dma_wait3A_89 : memref<1x64x128xf32, #tpu.memory_space<vmem>> -> memref<64x128xf32, #tpu.memory_space<vmem>>
    %dma_wait3A_91 = arith.constant 0 : i32
    %dma_wait3A_92 = tpu.memref_slice %arg4[%add3A_85, %dma_wait3A_91] : memref<819200x128xf32, #tpu.memory_space<hbm>> -> memref<64x128xf32, #tpu.memory_space<hbm>>
    %dma_wait3A_93 = arith.constant 0 : i32
    %dma_wait3A_94 = tpu.memref_slice %arg4[%add3A_85, %dma_wait3A_93] : memref<819200x128xf32, #tpu.memory_space<hbm>> -> memref<64x128xf32, #tpu.memory_space<hbm>>
    %dma_wait3A_95 = arith.constant 0 : i32
    %dma_wait3A_96 = arith.constant 0 : i32
    %dma_wait3A_97 = tpu.memref_slice %arg7[%dma_wait3A_86, %dma_wait3A_95, %dma_wait3A_96] : memref<8x64x128xf32, #tpu.memory_space<vmem>> -> memref<1x64x128xf32, #tpu.memory_space<vmem>>
    %dma_wait3A_98 = tpu.memref_squeeze %dma_wait3A_97 : memref<1x64x128xf32, #tpu.memory_space<vmem>> -> memref<64x128xf32, #tpu.memory_space<vmem>>
    tpu.wait_dma2 semaphore(%arg21 : memref<!tpu.dma_semaphore, #tpu.memory_space<semaphore_mem>>) src(%dma_wait3A_98 : memref<64x128xf32, #tpu.memory_space<vmem>>) dst(%dma_wait3A_94 : memref<64x128xf32, #tpu.memory_space<hbm>>)
    %add3A_99 = arith.constant 384 : i32
    %add3A_100 = arith.addi %mul3A_2, %add3A_99 : i32
    %dma_wait3A_101 = arith.constant 6 : i32
    %dma_wait3A_102 = arith.constant 0 : i32
    %dma_wait3A_103 = arith.constant 0 : i32
    %dma_wait3A_104 = tpu.memref_slice %arg7[%dma_wait3A_101, %dma_wait3A_102, %dma_wait3A_103] : memref<8x64x128xf32, #tpu.memory_space<vmem>> -> memref<1x64x128xf32, #tpu.memory_space<vmem>>
    %dma_wait3A_105 = tpu.memref_squeeze %dma_wait3A_104 : memref<1x64x128xf32, #tpu.memory_space<vmem>> -> memref<64x128xf32, #tpu.memory_space<vmem>>
    %dma_wait3A_106 = arith.constant 0 : i32
    %dma_wait3A_107 = tpu.memref_slice %arg4[%add3A_100, %dma_wait3A_106] : memref<819200x128xf32, #tpu.memory_space<hbm>> -> memref<64x128xf32, #tpu.memory_space<hbm>>
    %dma_wait3A_108 = arith.constant 0 : i32
    %dma_wait3A_109 = tpu.memref_slice %arg4[%add3A_100, %dma_wait3A_108] : memref<819200x128xf32, #tpu.memory_space<hbm>> -> memref<64x128xf32, #tpu.memory_space<hbm>>
    %dma_wait3A_110 = arith.constant 0 : i32
    %dma_wait3A_111 = arith.constant 0 : i32
    %dma_wait3A_112 = tpu.memref_slice %arg7[%dma_wait3A_101, %dma_wait3A_110, %dma_wait3A_111] : memref<8x64x128xf32, #tpu.memory_space<vmem>> -> memref<1x64x128xf32, #tpu.memory_space<vmem>>
    %dma_wait3A_113 = tpu.memref_squeeze %dma_wait3A_112 : memref<1x64x128xf32, #tpu.memory_space<vmem>> -> memref<64x128xf32, #tpu.memory_space<vmem>>
    tpu.wait_dma2 semaphore(%arg22 : memref<!tpu.dma_semaphore, #tpu.memory_space<semaphore_mem>>) src(%dma_wait3A_113 : memref<64x128xf32, #tpu.memory_space<vmem>>) dst(%dma_wait3A_109 : memref<64x128xf32, #tpu.memory_space<hbm>>)
    %add3A_114 = arith.constant 448 : i32
    %add3A_115 = arith.addi %mul3A_2, %add3A_114 : i32
    %dma_wait3A_116 = arith.constant 7 : i32
    %dma_wait3A_117 = arith.constant 0 : i32
    %dma_wait3A_118 = arith.constant 0 : i32
    %dma_wait3A_119 = tpu.memref_slice %arg7[%dma_wait3A_116, %dma_wait3A_117, %dma_wait3A_118] : memref<8x64x128xf32, #tpu.memory_space<vmem>> -> memref<1x64x128xf32, #tpu.memory_space<vmem>>
    %dma_wait3A_120 = tpu.memref_squeeze %dma_wait3A_119 : memref<1x64x128xf32, #tpu.memory_space<vmem>> -> memref<64x128xf32, #tpu.memory_space<vmem>>
    %dma_wait3A_121 = arith.constant 0 : i32
    %dma_wait3A_122 = tpu.memref_slice %arg4[%add3A_115, %dma_wait3A_121] : memref<819200x128xf32, #tpu.memory_space<hbm>> -> memref<64x128xf32, #tpu.memory_space<hbm>>
    %dma_wait3A_123 = arith.constant 0 : i32
    %dma_wait3A_124 = tpu.memref_slice %arg4[%add3A_115, %dma_wait3A_123] : memref<819200x128xf32, #tpu.memory_space<hbm>> -> memref<64x128xf32, #tpu.memory_space<hbm>>
    %dma_wait3A_125 = arith.constant 0 : i32
    %dma_wait3A_126 = arith.constant 0 : i32
    %dma_wait3A_127 = tpu.memref_slice %arg7[%dma_wait3A_116, %dma_wait3A_125, %dma_wait3A_126] : memref<8x64x128xf32, #tpu.memory_space<vmem>> -> memref<1x64x128xf32, #tpu.memory_space<vmem>>
    %dma_wait3A_128 = tpu.memref_squeeze %dma_wait3A_127 : memref<1x64x128xf32, #tpu.memory_space<vmem>> -> memref<64x128xf32, #tpu.memory_space<vmem>>
    tpu.wait_dma2 semaphore(%arg23 : memref<!tpu.dma_semaphore, #tpu.memory_space<semaphore_mem>>) src(%dma_wait3A_128 : memref<64x128xf32, #tpu.memory_space<vmem>>) dst(%dma_wait3A_124 : memref<64x128xf32, #tpu.memory_space<hbm>>)
    return
  }
}

</mosaic_0001>

<sc_bundles>
// kernel: kernel.3.cloned.1.call-start
scs
__scs_entry_jumppad:
0x0: {  	(pc) =	sbr.rel $0x88, $3  }
0x1: {  	(tag) =	ssettag $0x0;
	lr =	simm.s32 $0x1  }
0x2: {  	[smem:$0x3F9F] =	sst lr;
	_ =	strace $0xD0000000  }
0x3: {  	_ = 	snop  }
0x4: {  	_ = 	snop  }
0x5: {  	_ = 	snop  }
0x6: {  	_ = 	snop  }
0x7: {  	_ = 	snop  }
__scs_overlays_trampoline_lowered:
0x8: {  	[smem:$0x3FAE] =	sst s0  }
0x9: {  	[smem:$0x3FAF] =	sst s1  }
0xa: {  	[smem:$0x3FB0] =	sst s2  }
0xb: {  	[smem:$0x3FB1] =	sst s3  }
0xc: {  	[smem:$0x3FB2] =	sst s4  }
0xd: {  	[smem:$0x3FB3] =	sst s5  }
0xe: {  	[smem:$0x3FB4] =	sst s6  }
0xf: {  	[smem:$0x3FB5] =	sst s7  }
0x10: {  	[smem:$0x3FB6] =	sst s8  }
0x11: {  	[smem:$0x3FB7] =	sst s9;
	s0 =	simm.s32 @!p0 $0x0  }
0x12: {  	s1 =	sld [smem:$0x3F9D];
	s0 =	simm.s32 @p0 $0x1  }
0x13: {  	[smem:$0x3FB8] =	sst s0;
	s0 =	simm.s32 @!p1 $0x0  }
0x14: {  	s2 =	sld [smem:$0x3F9C];
	s0 =	simm.s32 @p1 $0x1  }
0x15: {  	[smem:$0x3FB9] =	sst s0;
	s0 =	simm.s32 @!p2 $0x0  }
0x16: {  	s3 =	sld [smem:$0x3FDB];
	s0 =	simm.s32 @p2 $0x1  }
0x17: {  	s4 =	simm.s32 $0x1BF5;
	[smem:$0x3FBB] =	sst s0  }
0x18: {  	s0 =	sld [smem:$0x3F9E];
	_ =	swait.ge [sflag:s4], $0x0  }
0x19: {  	s7 =	sld [smem:$0x3F9F]  }
0x1a: {  	s8 =	sadd.s32 $0xFFFFE003, lr  }
0x1b: {  	s9 =	sadd.s32 $0xFFFFFEF7, lr;
	s5 =	simm.s32 $0xFFFFFFFF;
	p2 =	slt.u32 s8, $0xFFFFF086  }
0x1c: {  	p1 =	slt.u32 s9, $0xF7A;
	s5 =	simm.s32 @!p2 $0x0  }
0x1d: {  	s5 =	simm.s32 @p1 $0x1;
	p0 =	seq.s32 s7, s2  }
0x1e: {  	s7 =	smul.u32 @!p0 $0xF7A, s2;
	p2 =	seq.s32 @!p0 s5, $0x0  }
0x1f: {  	s9 =	smul.u32 $0xF7A, s1;
	s8 =	simm.s32 @!p0 $0x1BF5;
	p2 =	por !p2, p0  }
0x20: {  	[sflag:s8] =	ssyncset.s32 @!p0 $0xFFFFF086;
	s6 =	sadd.s32 @!p0 s3, s7;
	s7 =	simm.s32 @!p0 $0x108  }
0x21: {  	s3 =	sadd.s32 s3, s9;
	s6 =	sadd.s32 @!p0 $0x88, s6;
	s7 =	simm.s32 @p2 $0x1082  }
0x22: {  	[simem:s7], [sflag:s8] =	dma.local @!p0 [hbm:s6], $0xF7A  }
0x23: {  	s9 =	sor.u32 $0xD0000000, s2;
	s6 =	simm.s32 $0x108;
	_ =	swait.ge @!p0 [sflag:s8], $0x0  }
0x24: {  	s3 =	sadd.s32 $0x88, s3;
	s6 =	simm.s32 @!p1 $0x1082;
	[sflag:s4] =	ssyncset.s32 $0xFFFFF086  }
0x25: {  	[simem:s6], [sflag:s4] =	dma.local [hbm:s3], $0xF7A  }
0x26: {  	[smem:$0x3F9F] =	sst s1;
	(tag) =	ssettag s2;
	_ =	strace s9  }
0x27: {  	s1 =	sld [smem:$0x3FAF]  }
0x28: {  	s2 =	sld [smem:$0x3FB0]  }
0x29: {  	s4 =	sld [smem:$0x3FB2]  }
0x2a: {  	p0 =	seq.s32 s5, $0x0;
	s5 =	sld [smem:$0x3FB3]  }
0x2b: {  	s6 =	sld [smem:$0x3FB4]  }
0x2c: {  	s7 =	sld [smem:$0x3FB5]  }
0x2d: {  	s3 =	simm.s32 $0x108;
	s8 =	sld [smem:$0x3FB6]  }
0x2e: {  	s3 =	simm.s32 @!p0 $0x1082;
	s9 =	sld [smem:$0x3FB7]  }
0x2f: {  	lr =	sadd.s32 s0, s3;
	s0 =	sld [smem:$0x3FAE]  }
0x30: {  	s3 =	sld [smem:$0x3FB1]  }
0x31: {  	[smem:$0x3FBA] =	sst s10  }
0x32: {  	s10 =	sld [smem:$0x3FB8];
	_ =	sdelay $0x3  }
0x33: {  	p0 =	seq.s32 s10, $0x1;
	s10 =	sld [smem:$0x3FBA];
	_ =	sdelay $0x3  }
0x34: {  	[smem:$0x3FBA] =	sst s10  }
0x35: {  	s10 =	sld [smem:$0x3FB9];
	_ =	sdelay $0x3  }
0x36: {  	p1 =	seq.s32 s10, $0x1;
	s10 =	sld [smem:$0x3FBA];
	_ =	sdelay $0x3  }
0x37: {  	[smem:$0x3FBA] =	sst s10  }
0x38: {  	s10 =	sld [smem:$0x3FBB]  }
0x39: {  	_ = 	snop;
	(pc) =	sbr.ind lr, $3  }
0x3a: {  	_ = 	snop  }
0x3b: {  	_ = 	snop  }
0x3c: {  	p2 =	seq.s32 s10, $0x1;
	s10 =	sld [smem:$0x3FBA]  }
0x3d: {  	_ =	shalt  }
0x3e: {  	_ =	shalt  }
0x3f: {  	_ =	shalt  }
0x40: {  	_ =	shalt  }
0x41: {  	_ =	shalt  }
0x42: {  	_ =	shalt  }
0x43: {  	_ =	shalt  }
0x44: {  	_ =	shalt  }
0x45: {  	_ =	shalt  }
0x46: {  	_ =	shalt  }
0x47: {  	_ =	shalt  }
0x48: {  	_ =	shalt  }
0x49: {  	_ =	shalt  }
0x4a: {  	_ =	shalt  }
0x4b: {  	_ =	shalt  }
0x4c: {  	_ =	shalt  }
0x4d: {  	_ =	shalt  }
0x4e: {  	_ =	shalt  }
0x4f: {  	_ =	shalt  }
0x50: {  	_ =	shalt  }
0x51: {  	_ =	shalt  }
0x52: {  	_ =	shalt  }
0x53: {  	_ =	shalt  }
0x54: {  	_ =	shalt  }
0x55: {  	_ =	shalt  }
0x56: {  	_ =	shalt  }
0x57: {  	_ =	shalt  }
0x58: {  	_ =	shalt  }
0x59: {  	_ =	shalt  }
0x5a: {  	_ =	shalt  }
0x5b: {  	_ =	shalt  }
0x5c: {  	_ =	shalt  }
0x5d: {  	_ =	shalt  }
0x5e: {  	_ =	shalt  }
0x5f: {  	_ =	shalt  }
0x60: {  	_ =	shalt  }
0x61: {  	_ =	shalt  }
0x62: {  	_ =	shalt  }
0x63: {  	_ =	shalt  }
0x64: {  	_ =	shalt  }
0x65: {  	_ =	shalt  }
0x66: {  	_ =	shalt  }
0x67: {  	_ =	shalt  }
0x68: {  	_ =	shalt  }
0x69: {  	_ =	shalt  }
0x6a: {  	_ =	shalt  }
0x6b: {  	_ =	shalt  }
0x6c: {  	_ =	shalt  }
0x6d: {  	_ =	shalt  }
0x6e: {  	_ =	shalt  }
0x6f: {  	_ =	shalt  }
0x70: {  	_ =	shalt  }
0x71: {  	_ =	shalt  }
0x72: {  	_ =	shalt  }
0x73: {  	_ =	shalt  }
0x74: {  	_ =	shalt  }
0x75: {  	_ =	shalt  }
0x76: {  	_ =	shalt  }
0x77: {  	_ =	shalt  }
0x78: {  	_ =	shalt  }
0x79: {  	_ =	shalt  }
0x7a: {  	_ =	shalt  }
0x7b: {  	_ =	shalt  }
0x7c: {  	_ =	shalt  }
0x7d: {  	_ =	shalt  }
0x7e: {  	_ =	shalt  }
0x7f: {  	_ =	shalt  }
0x80: {  	_ =	shalt  }
0x81: {  	_ =	shalt  }
0x82: {  	_ =	shalt  }
0x83: {  	_ =	shalt  }
0x84: {  	_ =	shalt  }
0x85: {  	_ =	shalt  }
0x86: {  	_ =	shalt  }
0x87: {  	_ =	shalt  }
.Lfunc_end0:
.L_simem_size_0:
called_computation_lowered:
.L_overlay_start_0:
0x88: {  	s2 =	sld [smem:$0x3FD9]  }
0x89: {  	s3 =	sld [smem:$0x3FFE];
	_ =	sdelay $0x1  }
0x8a: {  	s1 =	srdreg.scid  }
0x8b: {  	s0 =	sand.u32 $0x1, s1  }
0x8c: {  	s17 =	sshll.u32 s0, $0xA;
	s2 =	sadd.s32 s3, s2  }
0x8d: {  	s2 =	sadd.s32 s2, s17  }
0x8e: {  	[smem:$0x3FC6] =	sst s2  }
0x8f: {  	_ = 	snop  }
0x90: {  	s2 =	sld [smem:$0x3FC8]  }
0x91: {  	s18 =	sld [smem:$0x3FD0];
	(tm) =	ssettm $0x1  }
0x92: {  	s4 =	sld [smem:$0x3FFB];
	_ =	sdelay $0x3  }
0x93: {  	_ =	strace s4  }
0x94: {  	s4 =	sld [smem:$0x3FFC];
	_ =	sdelay $0x3  }
0x95: {  	_ =	strace s4  }
0x96: {  	s4 =	sld [smem:$0x3FFD];
	_ =	sdelay $0x3  }
0x97: {  	_ =	strace s4  }
0x98: {  	_ =	strace $0x8FFFFFFF  }
0x99: {  	s19 =	sld [smem:$0x3FDB];
	_ =	sdelay $0x1  }
0x9a: {  	s5 =	simm.s32 $_scs_section_size  }
0x9b: {  	s6 =	simm.s32 $_size__tile_overlayer_lowered;
	s7 =	simm.s32 $_tile_overlayer_lowered  }
0x9c: {  	s22 =	simm.s32 $0x1BFF;
	s21 =	sshll.u32 s7, $0x1;
	s4 =	sadd.s32 s5, s19  }
0x9d: {  	s8 =	simm.s32 $0x0;
	s20 =	sshll.u32 s6, $0x1;
	s6 =	sadd.s32 s21, s4  }
0x9e: {  	[timem:s8], [sflag:s22] =	dma.local [hbm:s6], s20  }
0x9f: {  	_ =	swait.ge [sflag:s22], s20  }
0xa0: {  	s5 =	ssub.s32 $0x0, s20;
	[sflag:s22] =	ssyncset.done $0x0  }
0xa1: {  	[sflag:s22] =	ssyncadd.s32 s5;
	_ =	sdelay $0x1  }
0xa2: {  	s23 =	simm.s32 $0x1B8B  }
0xa3: {  	_ =	swait.ge [sflag:s23], $0x1  }
0xa4: {  	[sflag:s23] =	ssyncset.done $0x0  }
0xa5: {  	s25 =	simm.s32 $0x1B8E;
	s24 =	sld [smem:$0x3FFE];
	[sflag:s23] =	ssyncadd.s32 $0xFFFFFFFF  }
0xa6: {  	s26 =	simm.s32 $execute0_lowered;
	[smem:$0x3FD2] =	sst s25  }
0xa7: {  	s6 =	sshll.u32 s26, $0x1;
	_ =	strace $0x80000046;
	[dreg:$0x1] =	wrdreg $0xFFFFFFFF  }
0xa8: {  	s28 =	simm.s32 $_size_execute0_lowered;
	s4 =	sadd.s32 s4, s6;
	[dreg:$0x0] =	wrdreg $0x0  }
0xa9: {  	s6 =	sshll.u32 s28, $0x1;
	[dreg:$0x2] =	wrdreg s4  }
0xaa: {  	[dreg:$0x3] =	wrdreg s6  }
0xab: {  	[dreg:$0x4] =	wrdreg $0xC0  }
0xac: {  	_ =	task [dreg:s8], $0x5FFFF  }
0xad: {  	[dreg:$0x1] =	wrdreg $0xFFFFFFFF  }
0xae: {  	[dreg:$0x0] =	wrdreg $0x60  }
0xaf: {  	[dreg:$0x2] =	wrdreg s24  }
0xb0: {  	[dreg:$0x3] =	wrdreg s2  }
0xb1: {  	[dreg:$0x4] =	wrdreg s18  }
0xb2: {  	[dreg:$0x5] =	wrdreg $0xC8000  }
0xb3: {  	[dreg:$0x6] =	wrdreg $0x9  }
0xb4: {  	_ =	task.clear_ibuf [dreg:s8], $0x7FFFF;
	_ =	strace $0x90000046  }
0xb5: {  	s29 =	simm.s32 $0x9;
	_ =	strace $0x80000048  }
0xb6: {  	_ =	swait.ge [sflag:s29], $0x1  }
0xb7: {  	[sflag:s29] =	ssyncadd.s32 $0xFFFFFFFF  }
0xb8: {  	_ =	strace $0x90000048  }
0xb9: {  	_ =	sfence  }
0xba: {  	s30 =	sld [smem:$0x0];
	_ =	sdelay $0x2  }
0xbb: {  	s31 =	sshll.u32 s1, $0xD;
	s1 =	sshrl.u32 s1, $0x2  }
0xbc: {  	s3 =	sand.u32 $0x4000, s31;
	s1 =	sadd.s32 s1, s30  }
0xbd: {  	s0 =	sor.u32 s3, s0;
	s1 =	sshll.u32 s1, $0x11  }
0xbe: {  	s0 =	sor.u32 s1, s0  }
0xbf: {  	s0 =	sadd.s32 $0x8F2B, s0  }
0xc0: {  	[sflag:s0] =	ssyncadd.remote.s32 $0x1  }
0xc1: {  	_ =	sfence.sel $0xFFFF  }
0xc2: {  	[dreg:$0x0] =	wrdreg $0xFFFFFFFF;
	(pc) =	sbr.abs _section_cstart, $3  }
0xc3: {  	[dreg:$0x1] =	wrdreg $0xFFFFFFFF  }
0xc4: {  	_ =	task.clear_ibuf [dreg:s8], $0x2FFFF;
	_ =	strace $0x9FFFFFFF  }
0xc5: {  	(tm) =	ssettm $0x7FFFFFFF  }
tec
execute0_lowered:
.L_overlay_start_1:
0x0: {  	(tag) =	ssettag $0x1  }
0x1: {  	s0 =	rddreg [dreg:$0x0];
	s1 =	srdreg.scid  }
0x2: {  	s5 =	stileid.u32;
	s2 =	rddreg [dreg:$0x2]  }
0x3: {  	s4 =	simm.s32 $0x0;
	s22 =	simm.s32 $0x40;
	s12 =	simm.s32 $0x1A8C0  }
0x4: {  	s23 =	simm.s32 $0xC8C0;
	s13 =	simm.s32 $0x1;
	s24 =	simm.s32 $0xE8C0  }
0x5: {  	s14 =	simm.s32 $0x2;
	s25 =	simm.s32 $0x108C0;
	s15 =	simm.s32 $0x3  }
0x6: {  	s1 =	sand.u32 $0x1, s1;
	s3 =	sshll.u32 s5, $0x1;
	[smem:$0x7FF] =	sst s4  }
0x7: {  	s26 =	simm.s32 $0x128C0;
	s6 =	sor.u32 s1, s3;
	s3 =	rddreg [dreg:$0x3]  }
0x8: {  	s16 =	simm.s32 $0x4;
	_ =	strace $0x80000047;
	[dreg:$0x5] =	wrdreg s22  }
0x9: {  	s28 =	simm.s32 $0x148C0;
	s17 =	simm.s32 $0x5;
	[dreg:$0x6] =	wrdreg s23  }
0xa: {  	s29 =	simm.s32 $0x168C0;
	s18 =	simm.s32 $0x6;
	[dreg:$0x7] =	wrdreg s24  }
0xb: {  	s31 =	simm.s32 $0x188C0;
	s19 =	simm.s32 $0x7;
	[dreg:$0x8] =	wrdreg s25  }
0xc: {  	s30 =	simm.s32 $0x0;
	s8 =	smul.u32 $0x640000, s5;
	[dreg:$0x9] =	wrdreg s26  }
0xd: {  	s9 =	ssub.s32 $0x2, s1;
	s1 =	smul.u32 $0x320000, s1;
	[dreg:$0xa] =	wrdreg s28  }
0xe: {  	p0 =	sne.s32 s5, $0x0;
	[dreg:$0xb] =	wrdreg s29;
	s7 =	smul.u32 $0x1900, s6  }
0xf: {  	[dreg:$0xc] =	wrdreg s31;
	s10 =	sshrl.u32 s9, $0x1;
	s6 =	smul.u32 $0x320000, s6  }
0x10: {  	s20 =	ssub.s32 s9, s10;
	s1 =	sadd.s32 s1, s8;
	s0 =	sadd.s32 s7, s0  }
0x11: {  	s21 =	sor.u32 $0xE000, s1;
	s7 =	smax.u32 s20, $0x1;
	s0 =	sadd.s32 $0x400, s0  }
0x12: {  	s1 =	sshrl.u32 s1, $0x3;
	[dreg:$0xd] =	wrdreg s0;
	s0 =	sshrl.u32 s21, $0x3  }
0x13: {  	[dreg:$0xe] =	wrdreg s7;
	s10 =	sadd.s32 s0, s2;
	s0 =	sshrl.u32 @!p0 s3, $0x3  }
0x14: {  	s20 =	simm.s32 $0x8;
	s8 =	sadd.s32 s1, s2;
	[dreg:$0xf] =	wrdreg s0  }
.LBB2_1:
0x15: {  	s1 =	rddreg [dreg:$0x1]  }
0x16: {  	s0 =	simm.s32 @!p0 $0x1C11;
	s5 =	rddreg [dreg:$0xf]  }
0x17: {  	[spmem:s5], [sflag:s0] =	dma.local @!p0 [hbm:s1], $0x180  }
0x18: {  	s0 =	simm.s32 @!p0 $0x11  }
0x19: {  	_ =	swait.ge @!p0 [sflag:s0], $0x180  }
0x1a: {  	[sflag:s0] =	ssyncset.done @!p0 $0x0  }
0x1b: {  	s25 =	simm.s32 $0x11;
	s24 =	rddreg [dreg:$0xd];
	[sflag:s0] =	ssyncadd.s32 @!p0 $0xFFFFFE80  }
0x1c: {  	[tilespmem:s4], [sflag:$0x11] =	stream.linear.gather [hbm4b:s24+s4], $0xC800, $0x38;
	[tilespmem:$0x1C8C0] =	vst v63  }
0x1d: {  	_ =	swait.ge [sflag:s25], $0xC800  }
0x1e: {  	[sflag:s25] =	ssyncset.done $0x0  }
0x1f: {  	p1 =	por $0x0, $0x0;
	[sflag:s25] =	ssyncadd.s32 $0xFFFF3800  }
0x20: {  	s0 =	simm.s32 @p1 $0x9;
	[bflag:$0x0] =	sbarrier.arrive $0xFFFF  }
0x21: {  	_ =	swait.ge @p1 [sflag:s0], $0x2000  }
0x22: {  	s1 =	simm.s32 @p1 $0xC8C0;
	s5 =	simm.s32 @p1 $0xA;
	[sflag:s0] =	ssyncset.done @p1 $0x0  }
0x23: {  	s7 =	simm.s32 @p1 $0x40;
	[sflag:s0] =	ssyncadd.s32 @p1 $0xFFFFE000;
	s0 =	simm.s32 @p1 $0x0  }
0x24: {  	[tilespmem:s1], [sflag:$0x1] =	stream.indirect.gather @p1 [spmem:s3], $0x80, s0, s7, $0xb8;
	[tilespmem:$0x1C8C0] =	vst v63  }
0x25: {  	_ =	swait.ge @p1 [sflag:s5], $0x2000  }
0x26: {  	s0 =	simm.s32 @p1 $0x80;
	[sflag:s5] =	ssyncset.done @p1 $0x0  }
0x27: {  	s1 =	simm.s32 @p1 $0xE8C0;
	[sflag:s5] =	ssyncadd.s32 @p1 $0xFFFFE000;
	s5 =	simm.s32 @p1 $0xB  }
0x28: {  	[tilespmem:s1], [sflag:$0x2] =	stream.indirect.gather @p1 [spmem:s3], $0x80, s0, s7, $0xb8;
	[tilespmem:$0x1C8C0] =	vst v63  }
0x29: {  	_ =	swait.ge @p1 [sflag:s5], $0x2000  }
0x2a: {  	s0 =	simm.s32 @p1 $0x100;
	[sflag:s5] =	ssyncset.done @p1 $0x0  }
0x2b: {  	s1 =	simm.s32 @p1 $0x108C0;
	[sflag:s5] =	ssyncadd.s32 @p1 $0xFFFFE000;
	s5 =	simm.s32 @p1 $0xC  }
0x2c: {  	[tilespmem:s1], [sflag:$0x3] =	stream.indirect.gather @p1 [spmem:s3], $0x80, s0, s7, $0xb8;
	[tilespmem:$0x1C8C0] =	vst v63  }
0x2d: {  	_ =	swait.ge @p1 [sflag:s5], $0x2000  }
0x2e: {  	s0 =	simm.s32 @p1 $0x180;
	[sflag:s5] =	ssyncset.done @p1 $0x0  }
0x2f: {  	s1 =	simm.s32 @p1 $0x128C0;
	[sflag:s5] =	ssyncadd.s32 @p1 $0xFFFFE000;
	s5 =	simm.s32 @p1 $0xD  }
0x30: {  	[tilespmem:s1], [sflag:$0x4] =	stream.indirect.gather @p1 [spmem:s3], $0x80, s0, s7, $0xb8;
	[tilespmem:$0x1C8C0] =	vst v63  }
0x31: {  	_ =	swait.ge @p1 [sflag:s5], $0x2000  }
0x32: {  	s0 =	simm.s32 @p1 $0x200;
	[sflag:s5] =	ssyncset.done @p1 $0x0  }
0x33: {  	s1 =	simm.s32 @p1 $0x148C0;
	[sflag:s5] =	ssyncadd.s32 @p1 $0xFFFFE000;
	s5 =	simm.s32 @p1 $0xE  }
0x34: {  	[tilespmem:s1], [sflag:$0x5] =	stream.indirect.gather @p1 [spmem:s3], $0x80, s0, s7, $0xb8;
	[tilespmem:$0x1C8C0] =	vst v63  }
0x35: {  	_ =	swait.ge @p1 [sflag:s5], $0x2000  }
0x36: {  	s0 =	simm.s32 @p1 $0x280;
	[sflag:s5] =	ssyncset.done @p1 $0x0  }
0x37: {  	s1 =	simm.s32 @p1 $0x168C0;
	[sflag:s5] =	ssyncadd.s32 @p1 $0xFFFFE000;
	s5 =	simm.s32 @p1 $0xF  }
0x38: {  	[tilespmem:s1], [sflag:$0x6] =	stream.indirect.gather @p1 [spmem:s3], $0x80, s0, s7, $0xb8;
	[tilespmem:$0x1C8C0] =	vst v63  }
0x39: {  	_ =	swait.ge @p1 [sflag:s5], $0x2000  }
0x3a: {  	s0 =	simm.s32 @p1 $0x300;
	[sflag:s5] =	ssyncset.done @p1 $0x0  }
0x3b: {  	s1 =	simm.s32 @p1 $0x188C0;
	[sflag:s5] =	ssyncadd.s32 @p1 $0xFFFFE000;
	s5 =	simm.s32 @p1 $0x10  }
0x3c: {  	[tilespmem:s1], [sflag:$0x7] =	stream.indirect.gather @p1 [spmem:s3], $0x80, s0, s7, $0xb8;
	[tilespmem:$0x1C8C0] =	vst v63  }
0x3d: {  	_ =	swait.ge @p1 [sflag:s5], $0x2000  }
0x3e: {  	s0 =	simm.s32 @!p1 $0xC8C0;
	[sflag:s5] =	ssyncset.done @p1 $0x0  }
0x3f: {  	s1 =	simm.s32 @!p1 $0x40;
	[sflag:s5] =	ssyncadd.s32 @p1 $0xFFFFE000;
	s5 =	simm.s32 @!p1 $0x0  }
0x40: {  	[tilespmem:s0], [sflag:$0x1] =	stream.indirect.gather @!p1 [spmem:s3], $0x80, s5, s1, $0xb8;
	[tilespmem:$0x1C8C0] =	vst v63  }
0x41: {  	s0 =	simm.s32 @!p1 $0x80;
	s5 =	simm.s32 @!p1 $0xE8C0  }
0x42: {  	[tilespmem:s5], [sflag:$0x2] =	stream.indirect.gather @!p1 [spmem:s3], $0x80, s0, s1, $0xb8;
	[tilespmem:$0x1C8C0] =	vst v63  }
0x43: {  	s0 =	simm.s32 @!p1 $0x100;
	s5 =	simm.s32 @!p1 $0x108C0  }
0x44: {  	[tilespmem:s5], [sflag:$0x3] =	stream.indirect.gather @!p1 [spmem:s3], $0x80, s0, s1, $0xb8;
	[tilespmem:$0x1C8C0] =	vst v63  }
0x45: {  	s0 =	simm.s32 @!p1 $0x180;
	s5 =	simm.s32 @!p1 $0x128C0  }
0x46: {  	[tilespmem:s5], [sflag:$0x4] =	stream.indirect.gather @!p1 [spmem:s3], $0x80, s0, s1, $0xb8;
	[tilespmem:$0x1C8C0] =	vst v63  }
0x47: {  	s0 =	simm.s32 @!p1 $0x200;
	s5 =	simm.s32 @!p1 $0x148C0  }
0x48: {  	[tilespmem:s5], [sflag:$0x5] =	stream.indirect.gather @!p1 [spmem:s3], $0x80, s0, s1, $0xb8;
	[tilespmem:$0x1C8C0] =	vst v63  }
0x49: {  	s0 =	simm.s32 @!p1 $0x280;
	s5 =	simm.s32 @!p1 $0x168C0  }
0x4a: {  	[tilespmem:s5], [sflag:$0x6] =	stream.indirect.gather @!p1 [spmem:s3], $0x80, s0, s1, $0xb8;
	[tilespmem:$0x1C8C0] =	vst v63  }
0x4b: {  	s0 =	simm.s32 @!p1 $0x300;
	s5 =	simm.s32 @!p1 $0x188C0  }
0x4c: {  	[tilespmem:s5], [sflag:$0x7] =	stream.indirect.gather @!p1 [spmem:s3], $0x80, s0, s1, $0xb8;
	[tilespmem:$0x1C8C0] =	vst v63  }
0x4d: {  	s28 =	simm.s32 $0x380;
	s26 =	rddreg [dreg:$0x5]  }
0x4e: {  	[tilespmem:s12], [sflag:$0x8] =	stream.indirect.gather [spmem:s3], $0x80, s28, s26, $0xb8;
	[tilespmem:$0x1C8C0] =	vst v63  }
0x4f: {  	s1 =	simm.s32 @p1 $0x2000;
	_ =	swait.ge [sflag:s13], $0x2000  }
0x50: {  	s1 =	simm.s32 @!p1 $0x2000;
	[sflag:s13] =	ssyncset.done $0x0  }
0x51: {  	s5 =	sadd.s32 s6, s1;
	s29 =	rddreg [dreg:$0x6];
	[sflag:s13] =	ssyncadd.s32 $0xFFFFE000  }
0x52: {  	[hbm4b:s8+s4] =	stream.linear.scatter [tilespmem:s29], [sflag:$0x9], $0x2000, $0x38;
	[tilespmem:$0x1C8C0] =	vst v63  }
0x53: {  	s31 =	sadd.s32 $0x2000, s10;
	s0 =	sshrl.u32 s5, $0x3;
	_ =	swait.ge [sflag:s14], $0x2000  }
0x54: {  	s5 =	simm.s32 @p1 $0x4000;
	s0 =	sadd.s32 s2, s0;
	[sflag:s14] =	ssyncset.done $0x0  }
0x55: {  	s5 =	simm.s32 @!p1 $0x4000;
	s7 =	rddreg [dreg:$0x7];
	[sflag:s14] =	ssyncadd.s32 $0xFFFFE000  }
0x56: {  	[hbm4b:s0+s4] =	stream.linear.scatter [tilespmem:s7], [sflag:$0xA], $0x2000, $0x38;
	[tilespmem:$0x1C8C0] =	vst v63  }
0x57: {  	s9 =	sadd.s32 s6, s5;
	s5 =	simm.s32 @p1 $0x6000;
	_ =	swait.ge [sflag:s15], $0x2000  }
0x58: {  	s5 =	simm.s32 @!p1 $0x6000;
	s0 =	sshrl.u32 s9, $0x3;
	[sflag:s15] =	ssyncset.done $0x0  }
0x59: {  	s0 =	sadd.s32 s2, s0;
	s11 =	rddreg [dreg:$0x8];
	[sflag:s15] =	ssyncadd.s32 $0xFFFFE000  }
0x5a: {  	[hbm4b:s0+s4] =	stream.linear.scatter [tilespmem:s11], [sflag:$0xB], $0x2000, $0x38;
	[tilespmem:$0x1C8C0] =	vst v63  }
0x5b: {  	s21 =	sadd.s32 s6, s5;
	s5 =	simm.s32 @p1 $0x8000;
	_ =	swait.ge [sflag:s16], $0x2000  }
0x5c: {  	s5 =	simm.s32 @!p1 $0x8000;
	s0 =	sshrl.u32 s21, $0x3;
	[sflag:s16] =	ssyncset.done $0x0  }
0x5d: {  	s0 =	sadd.s32 s2, s0;
	s22 =	rddreg [dreg:$0x9];
	[sflag:s16] =	ssyncadd.s32 $0xFFFFE000  }
0x5e: {  	[hbm4b:s0+s4] =	stream.linear.scatter [tilespmem:s22], [sflag:$0xC], $0x2000, $0x38;
	[tilespmem:$0x1C8C0] =	vst v63  }
0x5f: {  	s23 =	sadd.s32 s6, s5;
	s5 =	simm.s32 @p1 $0xA000;
	_ =	swait.ge [sflag:s17], $0x2000  }
0x60: {  	s5 =	simm.s32 @!p1 $0xA000;
	s0 =	sshrl.u32 s23, $0x3;
	[sflag:s17] =	ssyncset.done $0x0  }
0x61: {  	s0 =	sadd.s32 s2, s0;
	s24 =	rddreg [dreg:$0xa];
	[sflag:s17] =	ssyncadd.s32 $0xFFFFE000  }
0x62: {  	[hbm4b:s0+s4] =	stream.linear.scatter [tilespmem:s24], [sflag:$0xD], $0x2000, $0x38;
	[tilespmem:$0x1C8C0] =	vst v63  }
0x63: {  	s25 =	sadd.s32 s6, s5;
	s5 =	simm.s32 $0xC000;
	_ =	swait.ge [sflag:s18], $0x2000  }
0x64: {  	s5 =	simm.s32 @!p1 $0xC000;
	s0 =	sshrl.u32 s25, $0x3;
	[sflag:s18] =	ssyncset.done $0x0  }
0x65: {  	s0 =	sadd.s32 s2, s0;
	s26 =	rddreg [dreg:$0xb];
	[sflag:s18] =	ssyncadd.s32 $0xFFFFE000  }
0x66: {  	[hbm4b:s0+s4] =	stream.linear.scatter [tilespmem:s26], [sflag:$0xE], $0x2000, $0x38;
	[tilespmem:$0x1C8C0] =	vst v63  }
0x67: {  	s1 =	simm.s32 $0x1C000;
	s28 =	sadd.s32 s6, s5;
	_ =	swait.ge [sflag:s19], $0x2000  }
0x68: {  	s7 =	simm.s32 $0x2000;
	s0 =	sshrl.u32 s28, $0x3;
	[sflag:s19] =	ssyncset.done $0x0  }
0x69: {  	s0 =	sadd.s32 s2, s0;
	s29 =	rddreg [dreg:$0xc];
	[sflag:s19] =	ssyncadd.s32 $0xFFFFE000  }
0x6a: {  	[hbm4b:s0+s4] =	stream.linear.scatter [tilespmem:s29], [sflag:$0xF], $0x2000, $0x38;
	[tilespmem:$0x1C8C0] =	vst v63  }
0x6b: {  	s9 =	smov.u32 s10;
	p1 =	por $0x1, $0x1;
	_ =	swait.ge [sflag:s20], $0x2000  }
0x6c: {  	s5 =	simm.s32 $0x1000;
	s0 =	sadd.s32 $0x2000, s8;
	[sflag:s20] =	ssyncset.done $0x0  }
.LBB2_2:
0x6d: {  	s21 =	simm.s32 @p1 $0x9;
	[sflag:s20] =	ssyncadd.s32 $0xFFFFE000  }
0x6e: {  	[hbm4b:s9+s4] =	stream.linear.scatter [tilespmem:s12], [sflag:$0x10], $0x2000, $0x38;
	[tilespmem:$0x1C8C0] =	vst v63  }
0x6f: {  	_ =	swait.ge @p1 [sflag:s21], $0x2000  }
0x70: {  	s22 =	simm.s32 @p1 $0xC8C0;
	s23 =	simm.s32 @p1 $0xA;
	[sflag:s21] =	ssyncset.done @p1 $0x0  }
0x71: {  	s24 =	sshra.s32 @p1 s5, $0x2;
	[sflag:s21] =	ssyncadd.s32 @p1 $0xFFFFE000;
	s21 =	simm.s32 @p1 $0x40  }
0x72: {  	[tilespmem:s22], [sflag:$0x1] =	stream.indirect.gather @p1 [spmem:s3], $0x80, s24, s21, $0xb8;
	[tilespmem:$0x1C8C0] =	vst v63  }
0x73: {  	_ =	swait.ge @p1 [sflag:s23], $0x2000  }
0x74: {  	s29 =	simm.s32 @p1 $0xB;
	s25 =	sadd.s32 @p1 $0x100, s24;
	[sflag:s23] =	ssyncset.done @p1 $0x0  }
0x75: {  	s22 =	sadd.s32 @p1 $0x80, s24;
	[sflag:s23] =	ssyncadd.s32 @p1 $0xFFFFE000;
	s23 =	simm.s32 @p1 $0xE8C0  }
0x76: {  	[tilespmem:s23], [sflag:$0x2] =	stream.indirect.gather @p1 [spmem:s3], $0x80, s22, s21, $0xb8;
	[tilespmem:$0x1C8C0] =	vst v63  }
0x77: {  	s26 =	sadd.s32 @p1 $0x180, s24;
	s28 =	sadd.s32 @p1 $0x200, s24;
	_ =	swait.ge @p1 [sflag:s29], $0x2000  }
0x78: {  	s22 =	sadd.s32 @p1 $0x280, s24;
	s23 =	sadd.s32 @p1 $0x300, s24;
	[sflag:s29] =	ssyncset.done @p1 $0x0  }
0x79: {  	s24 =	simm.s32 @p1 $0x108C0;
	[sflag:s29] =	ssyncadd.s32 @p1 $0xFFFFE000;
	s29 =	simm.s32 @p1 $0xC  }
0x7a: {  	[tilespmem:s24], [sflag:$0x3] =	stream.indirect.gather @p1 [spmem:s3], $0x80, s25, s21, $0xb8;
	[tilespmem:$0x1C8C0] =	vst v63  }
0x7b: {  	_ =	swait.ge @p1 [sflag:s29], $0x2000  }
0x7c: {  	[sflag:s29] =	ssyncset.done @p1 $0x0  }
0x7d: {  	s24 =	simm.s32 @p1 $0x128C0;
	s25 =	simm.s32 @p1 $0xD;
	[sflag:s29] =	ssyncadd.s32 @p1 $0xFFFFE000  }
0x7e: {  	[tilespmem:s24], [sflag:$0x4] =	stream.indirect.gather @p1 [spmem:s3], $0x80, s26, s21, $0xb8;
	[tilespmem:$0x1C8C0] =	vst v63  }
0x7f: {  	_ =	swait.ge @p1 [sflag:s25], $0x2000  }
0x80: {  	[sflag:s25] =	ssyncset.done @p1 $0x0  }
0x81: {  	s24 =	simm.s32 @p1 $0x148C0;
	[sflag:s25] =	ssyncadd.s32 @p1 $0xFFFFE000;
	s25 =	simm.s32 @p1 $0xE  }
0x82: {  	[tilespmem:s24], [sflag:$0x5] =	stream.indirect.gather @p1 [spmem:s3], $0x80, s28, s21, $0xb8;
	[tilespmem:$0x1C8C0] =	vst v63  }
0x83: {  	_ =	swait.ge @p1 [sflag:s25], $0x2000  }
0x84: {  	[sflag:s25] =	ssyncset.done @p1 $0x0  }
0x85: {  	s24 =	simm.s32 @p1 $0x168C0;
	[sflag:s25] =	ssyncadd.s32 @p1 $0xFFFFE000;
	s25 =	simm.s32 @p1 $0xF  }
0x86: {  	[tilespmem:s24], [sflag:$0x6] =	stream.indirect.gather @p1 [spmem:s3], $0x80, s22, s21, $0xb8;
	[tilespmem:$0x1C8C0] =	vst v63  }
0x87: {  	_ =	swait.ge @p1 [sflag:s25], $0x2000  }
0x88: {  	[sflag:s25] =	ssyncset.done @p1 $0x0  }
0x89: {  	s22 =	simm.s32 @p1 $0x188C0;
	s24 =	simm.s32 @p1 $0x10;
	[sflag:s25] =	ssyncadd.s32 @p1 $0xFFFFE000  }
0x8a: {  	[tilespmem:s22], [sflag:$0x7] =	stream.indirect.gather @p1 [spmem:s3], $0x80, s23, s21, $0xb8;
	[tilespmem:$0x1C8C0] =	vst v63  }
0x8b: {  	_ =	swait.ge @p1 [sflag:s24], $0x2000  }
0x8c: {  	s21 =	simm.s32 @!p1 $0xC8C0;
	[sflag:s24] =	ssyncset.done @p1 $0x0  }
0x8d: {  	s22 =	simm.s32 @!p1 $0x40;
	s23 =	simm.s32 @!p1 $0x0;
	[sflag:s24] =	ssyncadd.s32 @p1 $0xFFFFE000  }
0x8e: {  	[tilespmem:s21], [sflag:$0x1] =	stream.indirect.gather @!p1 [spmem:s3], $0x80, s23, s22, $0xb8;
	[tilespmem:$0x1C8C0] =	vst v63  }
0x8f: {  	s21 =	simm.s32 @!p1 $0x80;
	s23 =	simm.s32 @!p1 $0xE8C0  }
0x90: {  	[tilespmem:s23], [sflag:$0x2] =	stream.indirect.gather @!p1 [spmem:s3], $0x80, s21, s22, $0xb8;
	[tilespmem:$0x1C8C0] =	vst v63  }
0x91: {  	s21 =	simm.s32 @!p1 $0x100;
	s23 =	simm.s32 @!p1 $0x108C0  }
0x92: {  	[tilespmem:s23], [sflag:$0x3] =	stream.indirect.gather @!p1 [spmem:s3], $0x80, s21, s22, $0xb8;
	[tilespmem:$0x1C8C0] =	vst v63  }
0x93: {  	s21 =	simm.s32 @!p1 $0x180;
	s23 =	simm.s32 @!p1 $0x128C0  }
0x94: {  	[tilespmem:s23], [sflag:$0x4] =	stream.indirect.gather @!p1 [spmem:s3], $0x80, s21, s22, $0xb8;
	[tilespmem:$0x1C8C0] =	vst v63  }
0x95: {  	s21 =	simm.s32 @!p1 $0x200;
	s23 =	simm.s32 @!p1 $0x148C0  }
0x96: {  	[tilespmem:s23], [sflag:$0x5] =	stream.indirect.gather @!p1 [spmem:s3], $0x80, s21, s22, $0xb8;
	[tilespmem:$0x1C8C0] =	vst v63  }
0x97: {  	s21 =	simm.s32 @!p1 $0x280;
	s23 =	simm.s32 @!p1 $0x168C0  }
0x98: {  	[tilespmem:s23], [sflag:$0x6] =	stream.indirect.gather @!p1 [spmem:s3], $0x80, s21, s22, $0xb8;
	[tilespmem:$0x1C8C0] =	vst v63  }
0x99: {  	s28 =	sshra.s32 s5, $0x2;
	s21 =	simm.s32 @!p1 $0x300;
	s23 =	simm.s32 @!p1 $0x188C0  }
0x9a: {  	[tilespmem:s23], [sflag:$0x7] =	stream.indirect.gather @!p1 [spmem:s3], $0x80, s21, s22, $0xb8;
	[tilespmem:$0x1C8C0] =	vst v63  }
0x9b: {  	s11 =	smov.u32 s7;
	s29 =	rddreg [dreg:$0x5];
	s23 =	sadd.s32 $0x380, s28  }
0x9c: {  	[tilespmem:s12], [sflag:$0x8] =	stream.indirect.gather [spmem:s3], $0x80, s23, s29, $0xb8;
	[tilespmem:$0x1C8C0] =	vst v63  }
0x9d: {  	s5 =	smov.u32 s11;
	s21 =	sadd.s32 @p1 $0xFFFF6000, s1;
	_ =	swait.ge [sflag:s13], $0x2000  }
0x9e: {  	s22 =	sadd.s32 @p1 $0xFFFF8000, s1;
	s21 =	simm.s32 @!p1 $0x2000;
	[sflag:s13] =	ssyncset.done $0x0  }
0x9f: {  	s22 =	simm.s32 @!p1 $0x4000;
	s24 =	rddreg [dreg:$0x6];
	[sflag:s13] =	ssyncadd.s32 $0xFFFFE000  }
0xa0: {  	[hbm4b:s0+s4] =	stream.linear.scatter [tilespmem:s24], [sflag:$0x9], $0x2000, $0x38;
	[tilespmem:$0x1C8C0] =	vst v63  }
0xa1: {  	s25 =	sadd.s32 s6, s21;
	s28 =	sadd.s32 s6, s22;
	_ =	swait.ge [sflag:s14], $0x2000  }
0xa2: {  	s22 =	sadd.s32 @p1 $0xFFFFA000, s1;
	s11 =	sshrl.u32 s25, $0x3;
	[sflag:s14] =	ssyncset.done $0x0  }
0xa3: {  	s11 =	sadd.s32 s2, s11;
	s26 =	rddreg [dreg:$0x7];
	[sflag:s14] =	ssyncadd.s32 $0xFFFFE000  }
0xa4: {  	[hbm4b:s11+s4] =	stream.linear.scatter [tilespmem:s26], [sflag:$0xA], $0x2000, $0x38;
	[tilespmem:$0x1C8C0] =	vst v63  }
0xa5: {  	s22 =	simm.s32 @!p1 $0x6000;
	_ =	swait.ge [sflag:s15], $0x2000  }
0xa6: {  	s22 =	sadd.s32 s6, s22;
	s11 =	sshrl.u32 s28, $0x3;
	[sflag:s15] =	ssyncset.done $0x0  }
0xa7: {  	s11 =	sadd.s32 s2, s11;
	s29 =	rddreg [dreg:$0x8];
	[sflag:s15] =	ssyncadd.s32 $0xFFFFE000  }
0xa8: {  	[hbm4b:s11+s4] =	stream.linear.scatter [tilespmem:s29], [sflag:$0xB], $0x2000, $0x38;
	[tilespmem:$0x1C8C0] =	vst v63  }
0xa9: {  	s11 =	sshrl.u32 s22, $0x3;
	_ =	swait.ge [sflag:s16], $0x2000  }
0xaa: {  	s22 =	sadd.s32 @p1 $0xFFFFC000, s1;
	s11 =	sadd.s32 s2, s11;
	[sflag:s16] =	ssyncset.done $0x0  }
0xab: {  	s22 =	simm.s32 @!p1 $0x8000;
	s23 =	rddreg [dreg:$0x9];
	[sflag:s16] =	ssyncadd.s32 $0xFFFFE000  }
0xac: {  	[hbm4b:s11+s4] =	stream.linear.scatter [tilespmem:s23], [sflag:$0xC], $0x2000, $0x38;
	[tilespmem:$0x1C8C0] =	vst v63  }
0xad: {  	s24 =	sadd.s32 s6, s22;
	s22 =	sadd.s32 @p1 $0xFFFFE000, s1;
	_ =	swait.ge [sflag:s17], $0x2000  }
0xae: {  	s22 =	simm.s32 @!p1 $0xA000;
	s11 =	sshrl.u32 s24, $0x3;
	[sflag:s17] =	ssyncset.done $0x0  }
0xaf: {  	s11 =	sadd.s32 s2, s11;
	s25 =	rddreg [dreg:$0xa];
	[sflag:s17] =	ssyncadd.s32 $0xFFFFE000  }
0xb0: {  	[hbm4b:s11+s4] =	stream.linear.scatter [tilespmem:s25], [sflag:$0xD], $0x2000, $0x38;
	[tilespmem:$0x1C8C0] =	vst v63  }
0xb1: {  	s26 =	sadd.s32 s6, s22;
	_ =	swait.ge [sflag:s18], $0x2000  }
0xb2: {  	s11 =	sshrl.u32 s26, $0x3;
	[sflag:s18] =	ssyncset.done $0x0  }
0xb3: {  	s11 =	sadd.s32 s2, s11;
	s28 =	rddreg [dreg:$0xb];
	[sflag:s18] =	ssyncadd.s32 $0xFFFFE000  }
0xb4: {  	[hbm4b:s11+s4] =	stream.linear.scatter [tilespmem:s28], [sflag:$0xE], $0x2000, $0x38;
	[tilespmem:$0x1C8C0] =	vst v63  }
0xb5: {  	s7 =	sadd.s32 $0x1000, s7;
	s11 =	smov.u32 s1  }
0xb6: {  	p2 =	sne.s32 s7, $0x32000;
	s11 =	simm.s32 @!p1 $0xC000  }
0xb7: {  	s9 =	smov.u32 s31;
	_ =	swait.ge [sflag:s19], $0x2000;
	s11 =	sadd.s32 s6, s11  }
.Ltmp0:
0xb8: {  	[sflag:s19] =	ssyncset.done $0x0;
	s11 =	sshrl.u32 s11, $0x3;
	(pc) =	sbr.rel @p2 .LBB2_2-.Ltmp0, $4  }
0xb9: {  	s29 =	rddreg [dreg:$0xc];
	[sflag:s19] =	ssyncadd.s32 $0xFFFFE000;
	s11 =	sadd.s32 s2, s11  }
0xba: {  	[hbm4b:s11+s4] =	stream.linear.scatter [tilespmem:s29], [sflag:$0xF], $0x2000, $0x38;
	[tilespmem:$0x1C8C0] =	vst v63  }
0xbb: {  	s31 =	sadd.s32 $0x2000, s31;
	s0 =	sadd.s32 $0x2000, s0;
	_ =	swait.ge [sflag:s20], $0x2000  }
0xbc: {  	s1 =	sadd.s32 $0x10000, s1;
	p1 =	sne.s32 s5, $0x0;
	[sflag:s20] =	ssyncset.done $0x0  }
0xbd: {  	s7 =	simm.s32 @p1 $0x9;
	[sflag:s20] =	ssyncadd.s32 $0xFFFFE000  }
0xbe: {  	[hbm4b:s9+s4] =	stream.linear.scatter [tilespmem:s12], [sflag:$0x10], $0x2000, $0x38;
	[tilespmem:$0x1C8C0] =	vst v63  }
0xbf: {  	_ =	swait.ge @p1 [sflag:s7], $0x2000  }
0xc0: {  	s11 =	simm.s32 @p1 $0xA;
	s21 =	simm.s32 @p1 $0x40;
	[sflag:s7] =	ssyncset.done @p1 $0x0  }
0xc1: {  	s9 =	simm.s32 @p1 $0xC8C0;
	[sflag:s7] =	ssyncadd.s32 @p1 $0xFFFFE000;
	s7 =	sshra.s32 @p1 s5, $0x2  }
0xc2: {  	[tilespmem:s9], [sflag:$0x1] =	stream.indirect.gather @p1 [spmem:s3], $0x80, s7, s21, $0xb8;
	[tilespmem:$0x1C8C0] =	vst v63  }
0xc3: {  	_ =	swait.ge @p1 [sflag:s11], $0x2000  }
0xc4: {  	[sflag:s11] =	ssyncset.done @p1 $0x0  }
0xc5: {  	s9 =	sadd.s32 @p1 $0x80, s7;
	[sflag:s11] =	ssyncadd.s32 @p1 $0xFFFFE000;
	s11 =	simm.s32 @p1 $0xE8C0  }
0xc6: {  	[tilespmem:s11], [sflag:$0x2] =	stream.indirect.gather @p1 [spmem:s3], $0x80, s9, s21, $0xb8;
	[tilespmem:$0x1C8C0] =	vst v63  }
0xc7: {  	s9 =	simm.s32 @p1 $0xB  }
0xc8: {  	_ =	swait.ge @p1 [sflag:s9], $0x2000  }
0xc9: {  	[sflag:s9] =	ssyncset.done @p1 $0x0  }
0xca: {  	s11 =	sadd.s32 @p1 $0x100, s7;
	[sflag:s9] =	ssyncadd.s32 @p1 $0xFFFFE000;
	s9 =	simm.s32 @p1 $0x108C0  }
0xcb: {  	[tilespmem:s9], [sflag:$0x3] =	stream.indirect.gather @p1 [spmem:s3], $0x80, s11, s21, $0xb8;
	[tilespmem:$0x1C8C0] =	vst v63  }
0xcc: {  	s9 =	simm.s32 @p1 $0xC  }
0xcd: {  	_ =	swait.ge @p1 [sflag:s9], $0x2000  }
0xce: {  	[sflag:s9] =	ssyncset.done @p1 $0x0  }
0xcf: {  	s11 =	sadd.s32 @p1 $0x180, s7;
	[sflag:s9] =	ssyncadd.s32 @p1 $0xFFFFE000;
	s9 =	simm.s32 @p1 $0x128C0  }
0xd0: {  	[tilespmem:s9], [sflag:$0x4] =	stream.indirect.gather @p1 [spmem:s3], $0x80, s11, s21, $0xb8;
	[tilespmem:$0x1C8C0] =	vst v63  }
0xd1: {  	s9 =	simm.s32 @p1 $0xD  }
0xd2: {  	_ =	swait.ge @p1 [sflag:s9], $0x2000  }
0xd3: {  	[sflag:s9] =	ssyncset.done @p1 $0x0  }
0xd4: {  	s11 =	sadd.s32 @p1 $0x200, s7;
	[sflag:s9] =	ssyncadd.s32 @p1 $0xFFFFE000;
	s9 =	simm.s32 @p1 $0x148C0  }
0xd5: {  	[tilespmem:s9], [sflag:$0x5] =	stream.indirect.gather @p1 [spmem:s3], $0x80, s11, s21, $0xb8;
	[tilespmem:$0x1C8C0] =	vst v63  }
0xd6: {  	s9 =	simm.s32 @p1 $0xE  }
0xd7: {  	_ =	swait.ge @p1 [sflag:s9], $0x2000  }
0xd8: {  	[sflag:s9] =	ssyncset.done @p1 $0x0  }
0xd9: {  	s11 =	sadd.s32 @p1 $0x280, s7;
	[sflag:s9] =	ssyncadd.s32 @p1 $0xFFFFE000;
	s9 =	simm.s32 @p1 $0x168C0  }
0xda: {  	[tilespmem:s9], [sflag:$0x6] =	stream.indirect.gather @p1 [spmem:s3], $0x80, s11, s21, $0xb8;
	[tilespmem:$0x1C8C0] =	vst v63  }
0xdb: {  	s9 =	simm.s32 @p1 $0xF  }
0xdc: {  	_ =	swait.ge @p1 [sflag:s9], $0x2000  }
0xdd: {  	[sflag:s9] =	ssyncset.done @p1 $0x0  }
0xde: {  	s7 =	sadd.s32 @p1 $0x300, s7;
	[sflag:s9] =	ssyncadd.s32 @p1 $0xFFFFE000;
	s9 =	simm.s32 @p1 $0x188C0  }
0xdf: {  	[tilespmem:s9], [sflag:$0x7] =	stream.indirect.gather @p1 [spmem:s3], $0x80, s7, s21, $0xb8;
	[tilespmem:$0x1C8C0] =	vst v63  }
0xe0: {  	s7 =	simm.s32 @p1 $0x10  }
0xe1: {  	_ =	swait.ge @p1 [sflag:s7], $0x2000  }
0xe2: {  	s11 =	simm.s32 @!p1 $0x0;
	[sflag:s7] =	ssyncset.done @p1 $0x0  }
0xe3: {  	s9 =	simm.s32 @!p1 $0xC8C0;
	[sflag:s7] =	ssyncadd.s32 @p1 $0xFFFFE000;
	s7 =	simm.s32 @!p1 $0x40  }
0xe4: {  	[tilespmem:s9], [sflag:$0x1] =	stream.indirect.gather @!p1 [spmem:s3], $0x80, s11, s7, $0xb8;
	[tilespmem:$0x1C8C0] =	vst v63  }
0xe5: {  	s9 =	simm.s32 @!p1 $0x80;
	s11 =	simm.s32 @!p1 $0xE8C0  }
0xe6: {  	[tilespmem:s11], [sflag:$0x2] =	stream.indirect.gather @!p1 [spmem:s3], $0x80, s9, s7, $0xb8;
	[tilespmem:$0x1C8C0] =	vst v63  }
0xe7: {  	s9 =	simm.s32 @!p1 $0x100;
	s11 =	simm.s32 @!p1 $0x108C0  }
0xe8: {  	[tilespmem:s11], [sflag:$0x3] =	stream.indirect.gather @!p1 [spmem:s3], $0x80, s9, s7, $0xb8;
	[tilespmem:$0x1C8C0] =	vst v63  }
0xe9: {  	s9 =	simm.s32 @!p1 $0x180;
	s11 =	simm.s32 @!p1 $0x128C0  }
0xea: {  	[tilespmem:s11], [sflag:$0x4] =	stream.indirect.gather @!p1 [spmem:s3], $0x80, s9, s7, $0xb8;
	[tilespmem:$0x1C8C0] =	vst v63  }
0xeb: {  	s9 =	simm.s32 @!p1 $0x200;
	s11 =	simm.s32 @!p1 $0x148C0  }
0xec: {  	[tilespmem:s11], [sflag:$0x5] =	stream.indirect.gather @!p1 [spmem:s3], $0x80, s9, s7, $0xb8;
	[tilespmem:$0x1C8C0] =	vst v63  }
0xed: {  	s9 =	simm.s32 @!p1 $0x280;
	s11 =	simm.s32 @!p1 $0x168C0  }
0xee: {  	[tilespmem:s11], [sflag:$0x6] =	stream.indirect.gather @!p1 [spmem:s3], $0x80, s9, s7, $0xb8;
	[tilespmem:$0x1C8C0] =	vst v63  }
0xef: {  	s23 =	sshra.s32 s5, $0x2;
	s9 =	simm.s32 @!p1 $0x300;
	s11 =	simm.s32 @!p1 $0x188C0  }
0xf0: {  	[tilespmem:s11], [sflag:$0x7] =	stream.indirect.gather @!p1 [spmem:s3], $0x80, s9, s7, $0xb8;
	[tilespmem:$0x1C8C0] =	vst v63  }
0xf1: {  	s5 =	sadd.s32 $0x380, s23;
	s22 =	rddreg [dreg:$0x5]  }
0xf2: {  	[tilespmem:s12], [sflag:$0x8] =	stream.indirect.gather [spmem:s3], $0x80, s5, s22, $0xb8;
	[tilespmem:$0x1C8C0] =	vst v63  }
0xf3: {  	_ =	swait.ge [sflag:s13], $0x2000  }
0xf4: {  	[sflag:s13] =	ssyncset.done $0x0  }
0xf5: {  	s24 =	rddreg [dreg:$0x6];
	[sflag:s13] =	ssyncadd.s32 $0xFFFFE000  }
0xf6: {  	[hbm4b:s0+s4] =	stream.linear.scatter [tilespmem:s24], [sflag:$0x9], $0x2000, $0x38;
	[tilespmem:$0x1C8C0] =	vst v63  }
0xf7: {  	s0 =	sadd.s32 @p1 $0xFFFF6000, s1  }
0xf8: {  	s0 =	simm.s32 @!p1 $0x2000  }
0xf9: {  	_ =	swait.ge [sflag:s14], $0x2000;
	s0 =	sadd.s32 s6, s0  }
0xfa: {  	[sflag:s14] =	ssyncset.done $0x0;
	s0 =	sshrl.u32 s0, $0x3  }
0xfb: {  	s25 =	rddreg [dreg:$0x7];
	[sflag:s14] =	ssyncadd.s32 $0xFFFFE000;
	s0 =	sadd.s32 s2, s0  }
0xfc: {  	[hbm4b:s0+s4] =	stream.linear.scatter [tilespmem:s25], [sflag:$0xA], $0x2000, $0x38;
	[tilespmem:$0x1C8C0] =	vst v63  }
0xfd: {  	s0 =	sadd.s32 @p1 $0xFFFF8000, s1  }
0xfe: {  	s0 =	simm.s32 @!p1 $0x4000  }
0xff: {  	_ =	swait.ge [sflag:s15], $0x2000;
	s0 =	sadd.s32 s6, s0  }
0x100: {  	[sflag:s15] =	ssyncset.done $0x0;
	s0 =	sshrl.u32 s0, $0x3  }
0x101: {  	s26 =	rddreg [dreg:$0x8];
	[sflag:s15] =	ssyncadd.s32 $0xFFFFE000;
	s0 =	sadd.s32 s2, s0  }
0x102: {  	[hbm4b:s0+s4] =	stream.linear.scatter [tilespmem:s26], [sflag:$0xB], $0x2000, $0x38;
	[tilespmem:$0x1C8C0] =	vst v63  }
0x103: {  	s0 =	sadd.s32 @p1 $0xFFFFA000, s1  }
0x104: {  	s0 =	simm.s32 @!p1 $0x6000  }
0x105: {  	_ =	swait.ge [sflag:s16], $0x2000;
	s0 =	sadd.s32 s6, s0  }
0x106: {  	[sflag:s16] =	ssyncset.done $0x0;
	s0 =	sshrl.u32 s0, $0x3  }
0x107: {  	s28 =	rddreg [dreg:$0x9];
	[sflag:s16] =	ssyncadd.s32 $0xFFFFE000;
	s0 =	sadd.s32 s2, s0  }
0x108: {  	[hbm4b:s0+s4] =	stream.linear.scatter [tilespmem:s28], [sflag:$0xC], $0x2000, $0x38;
	[tilespmem:$0x1C8C0] =	vst v63  }
0x109: {  	s0 =	sadd.s32 @p1 $0xFFFFC000, s1  }
0x10a: {  	s0 =	simm.s32 @!p1 $0x8000  }
0x10b: {  	_ =	swait.ge [sflag:s17], $0x2000;
	s0 =	sadd.s32 s6, s0  }
0x10c: {  	[sflag:s17] =	ssyncset.done $0x0;
	s0 =	sshrl.u32 s0, $0x3  }
0x10d: {  	s29 =	rddreg [dreg:$0xa];
	[sflag:s17] =	ssyncadd.s32 $0xFFFFE000;
	s0 =	sadd.s32 s2, s0  }
0x10e: {  	[hbm4b:s0+s4] =	stream.linear.scatter [tilespmem:s29], [sflag:$0xD], $0x2000, $0x38;
	[tilespmem:$0x1C8C0] =	vst v63  }
0x10f: {  	s0 =	sadd.s32 @p1 $0xFFFFE000, s1  }
0x110: {  	s0 =	simm.s32 @!p1 $0xA000  }
0x111: {  	_ =	swait.ge [sflag:s18], $0x2000;
	s0 =	sadd.s32 s6, s0  }
0x112: {  	s1 =	simm.s32 @!p1 $0xC000;
	[sflag:s18] =	ssyncset.done $0x0;
	s0 =	sshrl.u32 s0, $0x3  }
0x113: {  	s7 =	rddreg [dreg:$0xb];
	[sflag:s18] =	ssyncadd.s32 $0xFFFFE000;
	s0 =	sadd.s32 s2, s0  }
0x114: {  	[hbm4b:s0+s4] =	stream.linear.scatter [tilespmem:s7], [sflag:$0xE], $0x2000, $0x38;
	[tilespmem:$0x1C8C0] =	vst v63  }
0x115: {  	s9 =	sadd.s32 s6, s1;
	_ =	swait.ge [sflag:s19], $0x2000  }
0x116: {  	s0 =	sshrl.u32 s9, $0x3;
	[sflag:s19] =	ssyncset.done $0x0  }
0x117: {  	s0 =	sadd.s32 s2, s0;
	s11 =	rddreg [dreg:$0xc];
	[sflag:s19] =	ssyncadd.s32 $0xFFFFE000  }
0x118: {  	[hbm4b:s0+s4] =	stream.linear.scatter [tilespmem:s11], [sflag:$0xF], $0x2000, $0x38;
	[tilespmem:$0x1C8C0] =	vst v63  }
0x119: {  	_ =	swait.ge [sflag:s20], $0x2000  }
0x11a: {  	[sflag:s20] =	ssyncset.done $0x0  }
0x11b: {  	s21 =	simm.s32 $0x9;
	[sflag:s20] =	ssyncadd.s32 $0xFFFFE000  }
0x11c: {  	[hbm4b:s31+s4] =	stream.linear.scatter [tilespmem:s12], [sflag:$0x10], $0x2000, $0x38;
	[tilespmem:$0x1C8C0] =	vst v63  }
0x11d: {  	_ =	swait.ge [sflag:s21], $0x2000  }
0x11e: {  	[sflag:s21] =	ssyncset.done $0x0  }
0x11f: {  	s22 =	simm.s32 $0xA;
	[sflag:s21] =	ssyncadd.s32 $0xFFFFE000  }
0x120: {  	_ =	swait.ge [sflag:s22], $0x2000  }
0x121: {  	[sflag:s22] =	ssyncset.done $0x0  }
0x122: {  	s23 =	simm.s32 $0xB;
	[sflag:s22] =	ssyncadd.s32 $0xFFFFE000  }
0x123: {  	_ =	swait.ge [sflag:s23], $0x2000  }
0x124: {  	[sflag:s23] =	ssyncset.done $0x0  }
0x125: {  	s24 =	simm.s32 $0xC;
	[sflag:s23] =	ssyncadd.s32 $0xFFFFE000  }
0x126: {  	_ =	swait.ge [sflag:s24], $0x2000  }
0x127: {  	[sflag:s24] =	ssyncset.done $0x0  }
0x128: {  	s25 =	simm.s32 $0xD;
	[sflag:s24] =	ssyncadd.s32 $0xFFFFE000  }
0x129: {  	_ =	swait.ge [sflag:s25], $0x2000  }
0x12a: {  	[sflag:s25] =	ssyncset.done $0x0  }
0x12b: {  	s26 =	simm.s32 $0xE;
	[sflag:s25] =	ssyncadd.s32 $0xFFFFE000  }
0x12c: {  	_ =	swait.ge [sflag:s26], $0x2000  }
0x12d: {  	[sflag:s26] =	ssyncset.done $0x0  }
0x12e: {  	s28 =	simm.s32 $0xF;
	[sflag:s26] =	ssyncadd.s32 $0xFFFFE000  }
0x12f: {  	_ =	swait.ge [sflag:s28], $0x2000  }
0x130: {  	[sflag:s28] =	ssyncset.done $0x0  }
0x131: {  	s29 =	simm.s32 $0x10;
	[sflag:s28] =	ssyncadd.s32 $0xFFFFE000  }
0x132: {  	_ =	swait.ge [sflag:s29], $0x2000  }
0x133: {  	s30 =	sadd.s32 $0x1, s30;
	s31 =	rddreg [dreg:$0xe]  }
0x134: {  	p1 =	sne.s32 s30, s31  }
.Ltmp1:
0x135: {  	_ = 	snop;
	(pc) =	sbr.rel @p1 .LBB2_1-.Ltmp1, $3  }
0x136: {  	_ =	sdelay $0x1  }
0x137: {  	[sflag:s29] =	ssyncset.done $0x0  }
0x138: {  	[sflag:s29] =	ssyncadd.s32 $0xFFFFE000  }
0x139: {  	_ =	sfence.sel $0x180000  }
0x13a: {  	[bflag:$0x0] =	sbarrier.arrive $0xFFFF  }
0x13b: {  	_ =	strace $0x90000047  }
0x13c: {  	[bflag:$0x2] =	sbarrier.arrive $0xFFFF  }
0x13d: {  	s0 =	rddreg [dreg:$0x4]  }
0x13e: {  	s0 =	sadd.s32 @!p0 $0x100000, s0  }
0x13f: {  	[sflag:s0] =	ssyncadd.tile.s32 @!p0 $0x1;
	_ =	shalt  }
.Lfunc_end2:
_tile_overlayer_lowered:
.L_overlay_start_2:
0x140: {  	(tag) =	ssettag $0x2  }
0x141: {  	s0 =	rddreg [dreg:$0x0];
	s2 =	stileid.u32  }
0x142: {  	s1 =	rddreg [dreg:$0x1];
	p0 =	sne.s32 s2, $0x0  }
0x143: {  	s3 =	rddreg [dreg:$0x2];
	[bflag:$0x3] =	sbarrier.arrive $0xFFFF;
	s2 =	simm.s32 @!p0 $0x1C11  }
0x144: {  	[timem:s3], [sflag:s2] =	dma.local @!p0 [hbm:s0], s1  }
0x145: {  	s0 =	simm.s32 @!p0 $0x11  }
0x146: {  	_ =	swait.ge @!p0 [sflag:s0], s1  }
0x147: {  	s1 =	ssub.s32 @!p0 $0x0, s1;
	[sflag:s0] =	ssyncset.done @!p0 $0x0  }
0x148: {  	[sflag:s0] =	ssyncadd.s32 @!p0 s1  }
0x149: {  	[bflag:$0x3] =	sbarrier.arrive $0xFFFF  }
0x14a: {  	_ =	shalt  }

</sc_bundles>
